<compile_context>
chip_gen: v7x
topology: tpu7x:2x2x1
jax: 0.10.2.dev20260603
libtpu: 0.0.44.dev20260713+nightly
codegen_flags: <defaults>
</compile_context>

<pallas_src>
import functools

import jax
import jax.numpy as jnp
from jax import lax
from jax.experimental import pallas as pl
from jax.experimental.pallas import tpu as pltpu
from jax.experimental.pallas import tpu_sc as plsc

B, T, C, H, W = 8, 8, 96, 64, 64
N = H * W
K = N // 2
D = T * C
NB = 2048
CHUNK = 64
WPB = 4
ROWS_PER_W = K // WPB
EPS = 1e-6


HB = 32


def _mt_body(x_ref, xt_ref, mean_ref):
    v3 = x_ref[0].reshape(T, HB * W, C)
    acc = v3[0]
    for t in range(1, T):
        acc = acc + v3[t]
    mean_ref[0] = (acc * (1.0 / T)).T
    for t in range(T):
        xt_ref[0, :, pl.ds(t * C, C)] = v3[t]


def _mean_transpose(x5):
    return pl.pallas_call(
        _mt_body,
        grid=(B, H // HB),
        in_specs=[pl.BlockSpec((1, T, HB, W, C), lambda b, h: (b, 0, h, 0, 0))],
        out_specs=[
            pl.BlockSpec((1, NB, D), lambda b, h: (b, h, 0)),
            pl.BlockSpec((1, C, NB), lambda b, h: (b, 0, h)),
        ],
        out_shape=[
            jax.ShapeDtypeStruct((B, N, D), jnp.float32),
            jax.ShapeDtypeStruct((B, C, N), jnp.float32),
        ],
        compiler_params=pltpu.CompilerParams(
            dimension_semantics=("arbitrary", "arbitrary")),
    )(x5)


def _tk_body(s_ref, meta_ref):
    sc = s_ref[...]
    bits = lax.bitcast_convert_type(sc, jnp.int32)
    def step(i, v):
        cand = jnp.bitwise_or(v, jnp.left_shift(jnp.int32(1), 30 - i))
        cnt = jnp.sum((bits >= cand).astype(jnp.int32), axis=1, keepdims=True)
        return jnp.where(cnt >= K, cand, v)
    v = lax.fori_loop(0, 31, step, jnp.zeros((B, 1), jnp.int32))
    cgt = jnp.sum((bits > v).astype(jnp.int32), axis=1, keepdims=True)
    need = K - cgt
    lane = lax.broadcasted_iota(jnp.int32, (B, 32), 1)
    meta_ref[...] = jnp.where(lane < 16,
                              jnp.broadcast_to(v, (B, 32)),
                              jnp.broadcast_to(need, (B, 32)))


def _topk_meta(scores):
    return pl.pallas_call(
        _tk_body,
        in_specs=[pl.BlockSpec((B, N), lambda: (0, 0))],
        out_specs=pl.BlockSpec((B, 32), lambda: (0, 0)),
        out_shape=jax.ShapeDtypeStruct((B, 32), jnp.int32),
    )(scores)


def _sc_body(xt_hbm, sc_hbm, meta_hbm, out_hbm, tidx_hbm, scl_hbm,
             sc_v, idx_v, scale_v, meta_v, gidx_v, rows_v, sem, wsem):
    cid = lax.axis_index("c")
    sid = lax.axis_index("s")
    wid = sid * 2 + cid
    b = wid // WPB
    q = wid % WPB

    pltpu.sync_copy(sc_hbm.at[pl.ds(b * N, N)], sc_v)
    pltpu.sync_copy(meta_hbm.at[pl.ds(b * 32, 32)], meta_v)
    vvec = meta_v[pl.ds(0, 16)]
    needvec = meta_v[pl.ds(16, 16)]

    stop = (q + 1) * ROWS_PER_W

    def ccond(carry):
        i, off, eqrun = carry
        return jnp.logical_and(i < N // 16, off < stop)

    def cstep(carry):
        i, off, eqrun = carry
        sv = sc_v[pl.ds(i * 16, 16)]
        sbits = plsc.bitcast(sv, jnp.int32)
        gt = sbits > vvec
        eq = sbits == vvec
        eqc = plsc.cumsum(jnp.where(eq, 1, 0)) + eqrun
        sel = jnp.logical_or(gt, jnp.logical_and(eq, eqc <= needvec))
        idxv = lax.iota(jnp.int32, 16) + i * 16
        plsc.store_compressed(idx_v.at[pl.ds(off, 16)], idxv, mask=sel)
        scl = sv / (sv + EPS)
        plsc.store_compressed(scale_v.at[pl.ds(off, 16)], scl, mask=sel)
        npop = jnp.sum(jnp.where(sel, 1, 0))
        neq = jnp.sum(jnp.where(eq, 1, 0))
        return (i + 1, off + npop, eqrun + neq)

    lax.while_loop(ccond, cstep, (jnp.int32(0), jnp.int32(0), jnp.int32(0)))

    @pl.when(q == WPB - 1)
    def _():
        pltpu.sync_copy(idx_v.at[pl.ds(0, K)], tidx_hbm.at[b])
    pltpu.sync_copy(scale_v.at[pl.ds(q * ROWS_PER_W, ROWS_PER_W)],
                    scl_hbm.at[pl.ds(b * K + q * ROWS_PER_W, ROWS_PER_W)])

    NCH = ROWS_PER_W // CHUNK

    def fire(ch, buf):
        jb = q * ROWS_PER_W + ch * CHUNK
        for v4 in range(CHUNK // 16):
            gidx_v[pl.ds(buf * CHUNK + v4 * 16, 16)] = (
                idx_v[pl.ds(jb + v4 * 16, 16)] + b * N)
        return pltpu.async_copy(
            xt_hbm.at[gidx_v.at[pl.ds(buf * CHUNK, CHUNK)]],
            rows_v.at[buf], sem)

    cp = fire(0, 0)
    wcp = [None, None]
    for ch in range(NCH):
        buf = ch % 2
        cp.wait()
        if ch + 1 < NCH:
            if wcp[1 - buf] is not None:
                wcp[1 - buf].wait()
                wcp[1 - buf] = None
            cp = fire(ch + 1, 1 - buf)
        jb = q * ROWS_PER_W + ch * CHUNK
        wcp[buf] = pltpu.async_copy(
            rows_v.at[buf], out_hbm.at[pl.ds(b * K + jb, CHUNK)], wsem[buf])
    for w in wcp:
        if w is not None:
            w.wait()


@functools.cache
def _make_sc_gather():
    return functools.partial(
        pl.kernel,
        mesh=plsc.VectorSubcoreMesh(core_axis_name="c", subcore_axis_name="s"),
        out_type=[
            jax.ShapeDtypeStruct((B * K, D), jnp.float32),
            jax.ShapeDtypeStruct((B, K), jnp.int32),
            jax.ShapeDtypeStruct((B * K,), jnp.float32),
        ],
        scratch_types=[
            pltpu.VMEM((N,), jnp.float32),
            pltpu.VMEM((K + 16,), jnp.int32),
            pltpu.VMEM((K + 16,), jnp.float32),
            pltpu.VMEM((32,), jnp.int32),
            pltpu.VMEM((2 * CHUNK,), jnp.int32),
            pltpu.VMEM((2, CHUNK, D), jnp.float32),
            pltpu.SemaphoreType.DMA,
            (pltpu.SemaphoreType.DMA, pltpu.SemaphoreType.DMA),
        ],
        compiler_params=pltpu.CompilerParams(needs_layout_passes=False),
    )(_sc_body)


def _sc_gather(xt_flat, sc_flat, meta_flat):
    return _make_sc_gather()(xt_flat, sc_flat, meta_flat)


KB = 2048


def _ot_body(in_ref, s_ref, out_ref):
    vt = in_ref[...].T
    vt = vt * s_ref[...][None, :]
    out_ref[0] = vt.reshape(T, C, KB)


def _out_transpose(out_flat, scl):
    return pl.pallas_call(
        _ot_body,
        grid=(B, K // KB),
        in_specs=[pl.BlockSpec((KB, D), lambda b, k: (b * (K // KB) + k, 0)),
                  pl.BlockSpec((KB,), lambda b, k: (b * (K // KB) + k,))],
        out_specs=pl.BlockSpec((1, T, C, KB), lambda b, k: (b, 0, 0, k)),
        out_shape=jax.ShapeDtypeStruct((B, T, C, K), jnp.float32),
        compiler_params=pltpu.CompilerParams(
            dimension_semantics=("arbitrary", "arbitrary")),
    )(out_flat, scl)


def _router_conv(x, w, b):
    y = lax.conv_general_dilated(x, w, (1, 1), 'SAME',
                                 dimension_numbers=('NCHW', 'OIHW', 'NCHW'))
    return y + b[None, :, None, None]


def kernel(x, W1, b1, W2, b2):
    x5 = jnp.transpose(x, (0, 1, 3, 4, 2))
    xt, mean = _mean_transpose(x5)
    xm = mean.reshape(B, C, H, W)
    h = _router_conv(xm, W1, b1)
    h = jnp.where(h >= 0, h, 0.01 * h)
    s = _router_conv(h, W2, b2)
    scores = jax.nn.sigmoid(s).reshape(B, N)
    meta = _topk_meta(scores)
    out_flat, top_idx, scl = _sc_gather(xt.reshape(B * N, D),
                                        scores.reshape(B * N),
                                        meta.reshape(B * 32))
    out_tck = _out_transpose(out_flat, scl)
    return jnp.transpose(out_tck, (0, 3, 1, 2)), top_idx

# --- scband reference (transcript-rebuilt; emitter-appended) ---
"""Pipeline reference for scband-learnable-sparse-handler-12094627905783 (READ-ONLY COPY).

The authoritative reference and input builder live on the scoring server;
editing this copy changes nothing except your own understanding.
"""

import jax, jax.numpy as jnp
import numpy as np
from jax import lax


def _conv(x, w, b):
    y = lax.conv_general_dilated(x, w, (1, 1), 'SAME', dimension_numbers=('NCHW', 'OIHW', 'NCHW'))
    return y + b[None, :, None, None]


def setup_inputs(seed: int = 0) -> dict:
    key = jax.random.key(seed)
    ks = jax.random.split(key, 4)
    B, T, C, H, W = 8, 8, 96, 64, 64
    x = jax.random.normal(ks[0], (B, T, C, H, W), dtype=jnp.float32)
    # router params: Conv2d(96 -> 24, k=3, pad=1), LeakyReLU, Conv2d(24 -> 1, k=1)
    W1 = jax.random.normal(ks[1], (24, 96, 3, 3), dtype=jnp.float32) * 0.02
    b1 = jnp.zeros((24,), dtype=jnp.float32)
    W2 = jax.random.normal(ks[2], (1, 24, 1, 1), dtype=jnp.float32) * 0.02
    b2 = jnp.zeros((1,), dtype=jnp.float32)
    return {"x": x, "W1": W1, "b1": b1, "W2": W2, "b2": b2}


def reference(x, W1, b1, W2, b2):
    # LearnableSparseHandler.sparsify, eval mode (no noise injection)
    sparse_ratio = 0.5
    B, T, C, H, W = x.shape
    N = H * W
    x_mean = jnp.mean(x, axis=1)  # [B, C, H, W]
    h = _conv(x_mean, W1, b1)
    h = jnp.where(h >= 0, h, 0.01 * h)  # LeakyReLU(0.01)
    s = _conv(h, W2, b2)  # [B, 1, H, W]
    scores_flat = jax.nn.sigmoid(s).reshape(B, N)
    keep_k = max(1, int(N * (1.0 - sparse_ratio)))
    top_scores, top_indices = lax.top_k(scores_flat, keep_k)
    top_indices = jnp.sort(top_indices, axis=1)
    x_flat = jnp.transpose(x, (0, 3, 4, 1, 2)).reshape(B, N, T, C)
    idx = jnp.broadcast_to(top_indices[:, :, None, None], (B, keep_k, T, C))
    x_gathered = jnp.take_along_axis(x_flat, idx, axis=1)
    score_gathered = jnp.take_along_axis(scores_flat, top_indices, axis=1)[:, :, None, None]
    eps = 1e-06
    scale_factor = score_gathered / (lax.stop_gradient(score_gathered) + eps)
    x_sparse = x_gathered * scale_factor
    return x_sparse, top_indices

if __name__ == "__main__":
    import jax
    _d = setup_inputs()
    print(jax.jit(kernel)(*tuple(_d.values())))

</pallas_src>

<mosaic_0001>
#map = affine_map<(d0, d1) -> (0, 0)>
#map1 = affine_map<(d0, d1) -> (0)>
module attributes {stable_mosaic.version = 14 : i64} {
  func.func @_sc_body(%arg0: i32, %arg1: i32, %arg2: memref<32768x768xf32, #tpu.memory_space<hbm>>, %arg3: memref<32768xf32, #tpu.memory_space<hbm>>, %arg4: memref<256xi32, #tpu.memory_space<hbm>>, %arg5: memref<16384x768xf32, #tpu.memory_space<hbm>>, %arg6: memref<8x2048xi32, #tpu.memory_space<hbm>>, %arg7: memref<16384xf32, #tpu.memory_space<hbm>>, %arg8: memref<4096xf32, #tpu.memory_space<vmem>>, %arg9: memref<2064xi32, #tpu.memory_space<vmem>>, %arg10: memref<2064xf32, #tpu.memory_space<vmem>>, %arg11: memref<32xi32, #tpu.memory_space<vmem>>, %arg12: memref<128xi32, #tpu.memory_space<vmem>>, %arg13: memref<2x64x768xf32, #tpu.memory_space<vmem>>, %arg14: memref<!tpu.dma_semaphore, #tpu.memory_space<semaphore_mem>>, %arg15: memref<!tpu.dma_semaphore, #tpu.memory_space<semaphore_mem>>, %arg16: memref<!tpu.dma_semaphore, #tpu.memory_space<semaphore_mem>>) attributes {dimension_semantics = [#tpu.dimension_semantics<core_parallel>, #tpu.dimension_semantics<subcore_parallel>], iteration_bounds = array<i64: 2, 16>, scalar_prefetch = 0 : i64, scratch_operands = 9 : i64, tpu.core_type = #tpu.core_type<sc_vector_subcore>, window_params = [{transform_indices = #map}, {transform_indices = #map1}, {transform_indices = #map1}, {transform_indices = #map}, {transform_indices = #map}, {transform_indices = #map1}]} {
    %mul3A = arith.constant 2 : i32
    %mul3A_0 = arith.muli %arg1, %mul3A : i32
    %add3A = arith.addi %mul3A_0, %arg0 : i32
    %jit3A = arith.constant 4 : i32
    %div3A = arith.divsi %add3A, %jit3A : i32
    %sign3A = arith.constant 0 : i32
    %sign3A_1 = arith.cmpi sgt, %add3A, %sign3A : i32
    %sign3A_2 = arith.extui %sign3A_1 : i1 to i32
    %sign3A_3 = arith.constant 0 : i32
    %sign3A_4 = arith.cmpi slt, %add3A, %sign3A_3 : i32
    %sign3A_5 = arith.extui %sign3A_4 : i1 to i32
    %sign3A_6 = arith.subi %sign3A_2, %sign3A_5 : i32
    %sign3A_7 = arith.constant 0 : i32
    %sign3A_8 = arith.cmpi sgt, %jit3A, %sign3A_7 : i32
    %sign3A_9 = arith.extui %sign3A_8 : i1 to i32
    %sign3A_10 = arith.constant 0 : i32
    %sign3A_11 = arith.cmpi slt, %jit3A, %sign3A_10 : i32
    %sign3A_12 = arith.extui %sign3A_11 : i1 to i32
    %sign3A_13 = arith.subi %sign3A_9, %sign3A_12 : i32
    %ne3A = arith.cmpi ne, %sign3A_6, %sign3A_13 : i32
    %rem3A = arith.remsi %add3A, %jit3A : i32
    %ne3A_14 = arith.constant 0 : i32
    %ne3A_15 = arith.cmpi ne, %rem3A, %ne3A_14 : i32
    %and3A = arith.andi %ne3A, %ne3A_15 : i1
    %sub3A = arith.constant 1 : i32
    %sub3A_16 = arith.subi %div3A, %sub3A : i32
    %select_n3A = arith.select %and3A, %sub3A_16, %div3A : i32
    %jit3A_17 = arith.constant 4 : i32
    %eq3A = arith.constant 0 : i32
    %eq3A_18 = arith.cmpi eq, %jit3A_17, %eq3A : i32
    %jit3A_19 = arith.constant 1 : i32
    %select_n3A_20 = arith.select %eq3A_18, %jit3A_19, %jit3A_17 : i32
    %rem3A_21 = arith.remsi %add3A, %select_n3A_20 : i32
    %ne3A_22 = arith.constant 0 : i32
    %ne3A_23 = arith.cmpi ne, %rem3A_21, %ne3A_22 : i32
    %lt3A = arith.constant 0 : i32
    %lt3A_24 = arith.cmpi slt, %rem3A_21, %lt3A : i32
    %lt3A_25 = arith.constant 0 : i32
    %lt3A_26 = arith.cmpi slt, %select_n3A_20, %lt3A_25 : i32
    %ne3A_27 = arith.xori %lt3A_24, %lt3A_26 : i1
    %and3A_28 = arith.andi %ne3A_27, %ne3A_23 : i1
    %add3A_29 = arith.addi %rem3A_21, %select_n3A_20 : i32
    %select_n3A_30 = arith.select %and3A_28, %add3A_29, %rem3A_21 : i32
    %mul3A_31 = arith.constant 4096 : i32
    %mul3A_32 = arith.muli %select_n3A, %mul3A_31 : i32
    "tpu.region"() ({
      %run_scoped3A = tpu.sem_alloc : memref<!tpu.dma_semaphore, #tpu.memory_space<semaphore_mem>>
      %dma_start3A_828 = tpu.memref_slice %arg3[%mul3A_32] : memref<32768xf32, #tpu.memory_space<hbm>> -> memref<4096xf32, #tpu.memory_space<hbm>>
      %dma_start3A_829 = tpu.memref_slice %arg3[%mul3A_32] : memref<32768xf32, #tpu.memory_space<hbm>> -> memref<4096xf32, #tpu.memory_space<hbm>>
      tpu.enqueue_dma source(%dma_start3A_829 : memref<4096xf32, #tpu.memory_space<hbm>>) target(%arg8 : memref<4096xf32, #tpu.memory_space<vmem>>) target_semaphore(%run_scoped3A : memref<!tpu.dma_semaphore, #tpu.memory_space<semaphore_mem>>)
      %dma_wait3A_830 = tpu.memref_slice %arg3[%mul3A_32] : memref<32768xf32, #tpu.memory_space<hbm>> -> memref<4096xf32, #tpu.memory_space<hbm>>
      %dma_wait3A_831 = tpu.memref_slice %arg3[%mul3A_32] : memref<32768xf32, #tpu.memory_space<hbm>> -> memref<4096xf32, #tpu.memory_space<hbm>>
      tpu.wait_dma2 semaphore(%run_scoped3A : memref<!tpu.dma_semaphore, #tpu.memory_space<semaphore_mem>>) src(%dma_wait3A_831 : memref<4096xf32, #tpu.memory_space<hbm>>) dst(%arg8 : memref<4096xf32, #tpu.memory_space<vmem>>)
      tpu.yield
    }) : () -> ()
    %mul3A_33 = arith.constant 32 : i32
    %mul3A_34 = arith.muli %select_n3A, %mul3A_33 : i32
    "tpu.region"() ({
      %run_scoped3A = tpu.sem_alloc : memref<!tpu.dma_semaphore, #tpu.memory_space<semaphore_mem>>
      %dma_start3A_828 = tpu.memref_slice %arg4[%mul3A_34] : memref<256xi32, #tpu.memory_space<hbm>> -> memref<32xi32, #tpu.memory_space<hbm>>
      %dma_start3A_829 = tpu.memref_slice %arg4[%mul3A_34] : memref<256xi32, #tpu.memory_space<hbm>> -> memref<32xi32, #tpu.memory_space<hbm>>
      tpu.enqueue_dma source(%dma_start3A_829 : memref<32xi32, #tpu.memory_space<hbm>>) target(%arg11 : memref<32xi32, #tpu.memory_space<vmem>>) target_semaphore(%run_scoped3A : memref<!tpu.dma_semaphore, #tpu.memory_space<semaphore_mem>>)
      %dma_wait3A_830 = tpu.memref_slice %arg4[%mul3A_34] : memref<256xi32, #tpu.memory_space<hbm>> -> memref<32xi32, #tpu.memory_space<hbm>>
      %dma_wait3A_831 = tpu.memref_slice %arg4[%mul3A_34] : memref<256xi32, #tpu.memory_space<hbm>> -> memref<32xi32, #tpu.memory_space<hbm>>
      tpu.wait_dma2 semaphore(%run_scoped3A : memref<!tpu.dma_semaphore, #tpu.memory_space<semaphore_mem>>) src(%dma_wait3A_831 : memref<32xi32, #tpu.memory_space<hbm>>) dst(%arg11 : memref<32xi32, #tpu.memory_space<vmem>>)
      tpu.yield
    }) : () -> ()
    %get3A = arith.constant 0 : index
    %get3A_35 = tpu.vector_load %arg11[%get3A] {strides = array<i32>} : memref<32xi32, #tpu.memory_space<vmem>>, vector<16xi32>,
    %get3A_36 = arith.constant 16 : index
    %get3A_37 = tpu.vector_load %arg11[%get3A_36] {strides = array<i32>} : memref<32xi32, #tpu.memory_space<vmem>>, vector<16xi32>,
    %add3A_38 = arith.constant 1 : i32
    %add3A_39 = arith.addi %select_n3A_30, %add3A_38 : i32
    %mul3A_40 = arith.constant 512 : i32
    %mul3A_41 = arith.muli %add3A_39, %mul3A_40 : i32
    %while3A = arith.constant 0 : i32
    %while3A_42 = arith.constant 0 : i32
    %while3A_43 = arith.constant 0 : i32
    %while3A_44:3 = scf.while (%while3A_828 = %while3A, %while3A_829 = %while3A_42, %while3A_830 = %while3A_43) : (i32, i32, i32) -> (i32, i32, i32) {
      %lt3A_831 = arith.constant 256 : i32
      %lt3A_832 = arith.cmpi slt, %while3A_828, %lt3A_831 : i32
      %lt3A_833 = arith.cmpi slt, %while3A_829, %mul3A_41 : i32
      %and3A_834 = arith.andi %lt3A_832, %lt3A_833 : i1
      scf.condition(%and3A_834) %while3A_828, %while3A_829, %while3A_830 : i32, i32, i32
    } do {
    ^bb0(%while3A_828: i32, %while3A_829: i32, %while3A_830: i32):
      %mul3A_831 = arith.constant 16 : i32
      %mul3A_832 = arith.muli %while3A_828, %mul3A_831 : i32
      %get3A_833 = arith.index_cast %mul3A_832 : i32 to index
      %get3A_834 = tpu.vector_load %arg8[%get3A_833] {strides = array<i32>} : memref<4096xf32, #tpu.memory_space<vmem>>, vector<16xf32>,
      %bitcast3A = vector.bitcast %get3A_834 : vector<16xf32> to vector<16xi32>
      %gt3A = arith.cmpi sgt, %bitcast3A, %get3A_35 : vector<16xi32>
      %eq3A_835 = arith.cmpi eq, %bitcast3A, %get3A_35 : vector<16xi32>
      %jit3A_836 = arith.constant 1 : i32
      %jit3A_837 = arith.constant 0 : i32
      %broadcast_in_dim3A = vector.broadcast %jit3A_836 : i32 to vector<16xi32>
      %broadcast_in_dim3A_838 = vector.broadcast %jit3A_837 : i32 to vector<16xi32>
      %select_n3A_839 = arith.select %eq3A_835, %broadcast_in_dim3A, %broadcast_in_dim3A_838 : vector<16xi1>, vector<16xi32>
      %broadcast_in_dim3A_840 = arith.constant true
      %broadcast_in_dim3A_841 = vector.broadcast %broadcast_in_dim3A_840 : i1 to vector<16xi1>
      %masked_cumsum3A = tpu.scan <sum>, %select_n3A_839 masked %broadcast_in_dim3A_841 : vector<16xi32>, vector<16xi1> -> vector<16xi32>
      %add3A_842 = vector.broadcast %while3A_830 : i32 to vector<16xi32>
      %add3A_843 = arith.addi %masked_cumsum3A, %add3A_842 : vector<16xi32>
      %le3A = arith.cmpi sle, %add3A_843, %get3A_37 : vector<16xi32>
      %and3A_844 = arith.andi %eq3A_835, %le3A : vector<16xi1>
      %or3A = arith.ori %gt3A, %and3A_844 : vector<16xi1>
      %iota3A = tpu.iota {dimensions = array<i32: 0>} : vector<16xi32>
      %mul3A_845 = arith.constant 16 : i32
      %mul3A_846 = arith.muli %while3A_828, %mul3A_845 : i32
      %add3A_847 = vector.broadcast %mul3A_846 : i32 to vector<16xi32>
      %add3A_848 = arith.addi %iota3A, %add3A_847 : vector<16xi32>
      %swap3A_849 = arith.index_cast %while3A_829 : i32 to index
      %swap3A_850 = tpu.vector_load %arg9[%swap3A_849] masked %or3A {strides = array<i32>} : memref<2064xi32, #tpu.memory_space<vmem>>, vector<16xi32>, vector<16xi1>
      tpu.vector_store %arg9[%swap3A_849], %add3A_848 masked %or3A {strides = array<i32>} : memref<2064xi32, #tpu.memory_space<vmem>>, vector<16xi32>, vector<16xi1>
      %add3A_851 = arith.constant 9.99999997E-7 : f32
      %add3A_852 = vector.broadcast %add3A_851 : f32 to vector<16xf32>
      %add3A_853 = arith.addf %get3A_834, %add3A_852 : vector<16xf32>
      %div3A_854 = arith.divf %get3A_834, %add3A_853 : vector<16xf32>
      %swap3A_855 = arith.index_cast %while3A_829 : i32 to index
      %swap3A_856 = tpu.vector_load %arg10[%swap3A_855] masked %or3A {strides = array<i32>} : memref<2064xf32, #tpu.memory_space<vmem>>, vector<16xf32>, vector<16xi1>
      tpu.vector_store %arg10[%swap3A_855], %div3A_854 masked %or3A {strides = array<i32>} : memref<2064xf32, #tpu.memory_space<vmem>>, vector<16xf32>, vector<16xi1>
      %jit3A_857 = arith.constant 1 : i32
      %jit3A_858 = arith.constant 0 : i32
      %broadcast_in_dim3A_859 = vector.broadcast %jit3A_857 : i32 to vector<16xi32>
      %broadcast_in_dim3A_860 = vector.broadcast %jit3A_858 : i32 to vector<16xi32>
      %select_n3A_861 = arith.select %or3A, %broadcast_in_dim3A_859, %broadcast_in_dim3A_860 : vector<16xi1>, vector<16xi32>
      %reduce_sum3A = arith.constant true
      %reduce_sum3A_862 = vector.broadcast %reduce_sum3A : i1 to vector<16xi1>
      %reduce_sum3A_863 = tpu.scan <sum>, %select_n3A_861 masked %reduce_sum3A_862 : vector<16xi32>, vector<16xi1> -> vector<16xi32>
      %reduce_sum3A_864 = vector.extract %reduce_sum3A_863[15] : i32 from vector<16xi32>
      %jit3A_865 = arith.constant 1 : i32
      %jit3A_866 = arith.constant 0 : i32
      %broadcast_in_dim3A_867 = vector.broadcast %jit3A_865 : i32 to vector<16xi32>
      %broadcast_in_dim3A_868 = vector.broadcast %jit3A_866 : i32 to vector<16xi32>
      %select_n3A_869 = arith.select %eq3A_835, %broadcast_in_dim3A_867, %broadcast_in_dim3A_868 : vector<16xi1>, vector<16xi32>
      %reduce_sum3A_870 = arith.constant true
      %reduce_sum3A_871 = vector.broadcast %reduce_sum3A_870 : i1 to vector<16xi1>
      %reduce_sum3A_872 = tpu.scan <sum>, %select_n3A_869 masked %reduce_sum3A_871 : vector<16xi32>, vector<16xi1> -> vector<16xi32>
      %reduce_sum3A_873 = vector.extract %reduce_sum3A_872[15] : i32 from vector<16xi32>
      %add3A_874 = arith.constant 1 : i32
      %add3A_875 = arith.addi %while3A_828, %add3A_874 : i32
      %add3A_876 = arith.addi %while3A_829, %reduce_sum3A_864 : i32
      %add3A_877 = arith.addi %while3A_830, %reduce_sum3A_873 : i32
      scf.yield %add3A_875, %add3A_876, %add3A_877 : i32, i32, i32
    }
    %eq3A_45 = arith.constant 3 : i32
    %eq3A_46 = arith.cmpi eq, %select_n3A_30, %eq3A_45 : i32
    %convert_element_type3A = arith.extui %eq3A_46 : i1 to i32
    %cond3A = arith.constant 0 : i32
    %cond3A_47 = arith.cmpi ne, %convert_element_type3A, %cond3A : i32
    scf.if %cond3A_47 {
      "tpu.region"() ({
        %run_scoped3A = tpu.sem_alloc : memref<!tpu.dma_semaphore, #tpu.memory_space<semaphore_mem>>
        %dma_start3A_828 = arith.constant 0 : i32
        %dma_start3A_829 = tpu.memref_slice %arg9[%dma_start3A_828] : memref<2064xi32, #tpu.memory_space<vmem>> -> memref<2048xi32, #tpu.memory_space<vmem>>
        %dma_start3A_830 = arith.constant 0 : i32
        %dma_start3A_831 = tpu.memref_slice %arg6[%select_n3A, %dma_start3A_830] : memref<8x2048xi32, #tpu.memory_space<hbm>> -> memref<1x2048xi32, #tpu.memory_space<hbm>>
        %dma_start3A_832 = tpu.memref_squeeze %dma_start3A_831 : memref<1x2048xi32, #tpu.memory_space<hbm>> -> memref<2048xi32, #tpu.memory_space<hbm>>
        %dma_start3A_833 = arith.constant 0 : i32
        %dma_start3A_834 = tpu.memref_slice %arg6[%select_n3A, %dma_start3A_833] : memref<8x2048xi32, #tpu.memory_space<hbm>> -> memref<1x2048xi32, #tpu.memory_space<hbm>>
        %dma_start3A_835 = tpu.memref_squeeze %dma_start3A_834 : memref<1x2048xi32, #tpu.memory_space<hbm>> -> memref<2048xi32, #tpu.memory_space<hbm>>
        %dma_start3A_836 = arith.constant 0 : i32
        %dma_start3A_837 = tpu.memref_slice %arg9[%dma_start3A_836] : memref<2064xi32, #tpu.memory_space<vmem>> -> memref<2048xi32, #tpu.memory_space<vmem>>
        tpu.enqueue_dma source(%dma_start3A_837 : memref<2048xi32, #tpu.memory_space<vmem>>) target(%dma_start3A_835 : memref<2048xi32, #tpu.memory_space<hbm>>) target_semaphore(%run_scoped3A : memref<!tpu.dma_semaphore, #tpu.memory_space<semaphore_mem>>)
        %dma_wait3A_838 = arith.constant 0 : i32
        %dma_wait3A_839 = tpu.memref_slice %arg9[%dma_wait3A_838] : memref<2064xi32, #tpu.memory_space<vmem>> -> memref<2048xi32, #tpu.memory_space<vmem>>
        %dma_wait3A_840 = arith.constant 0 : i32
        %dma_wait3A_841 = tpu.memref_slice %arg6[%select_n3A, %dma_wait3A_840] : memref<8x2048xi32, #tpu.memory_space<hbm>> -> memref<1x2048xi32, #tpu.memory_space<hbm>>
        %dma_wait3A_842 = tpu.memref_squeeze %dma_wait3A_841 : memref<1x2048xi32, #tpu.memory_space<hbm>> -> memref<2048xi32, #tpu.memory_space<hbm>>
        %dma_wait3A_843 = arith.constant 0 : i32
        %dma_wait3A_844 = tpu.memref_slice %arg6[%select_n3A, %dma_wait3A_843] : memref<8x2048xi32, #tpu.memory_space<hbm>> -> memref<1x2048xi32, #tpu.memory_space<hbm>>
        %dma_wait3A_845 = tpu.memref_squeeze %dma_wait3A_844 : memref<1x2048xi32, #tpu.memory_space<hbm>> -> memref<2048xi32, #tpu.memory_space<hbm>>
        %dma_wait3A_846 = arith.constant 0 : i32
        %dma_wait3A_847 = tpu.memref_slice %arg9[%dma_wait3A_846] : memref<2064xi32, #tpu.memory_space<vmem>> -> memref<2048xi32, #tpu.memory_space<vmem>>
        tpu.wait_dma2 semaphore(%run_scoped3A : memref<!tpu.dma_semaphore, #tpu.memory_space<semaphore_mem>>) src(%dma_wait3A_847 : memref<2048xi32, #tpu.memory_space<vmem>>) dst(%dma_wait3A_845 : memref<2048xi32, #tpu.memory_space<hbm>>)
        tpu.yield
      }) : () -> ()
    } else {
    }
    %mul3A_48 = arith.constant 512 : i32
    %mul3A_49 = arith.muli %select_n3A_30, %mul3A_48 : i32
    %mul3A_50 = arith.constant 2048 : i32
    %mul3A_51 = arith.muli %select_n3A, %mul3A_50 : i32
    %mul3A_52 = arith.constant 512 : i32
    %mul3A_53 = arith.muli %select_n3A_30, %mul3A_52 : i32
    %add3A_54 = arith.addi %mul3A_51, %mul3A_53 : i32
    "tpu.region"() ({
      %run_scoped3A = tpu.sem_alloc : memref<!tpu.dma_semaphore, #tpu.memory_space<semaphore_mem>>
      %dma_start3A_828 = tpu.memref_slice %arg10[%mul3A_49] : memref<2064xf32, #tpu.memory_space<vmem>> -> memref<512xf32, #tpu.memory_space<vmem>>
      %dma_start3A_829 = tpu.memref_slice %arg7[%add3A_54] : memref<16384xf32, #tpu.memory_space<hbm>> -> memref<512xf32, #tpu.memory_space<hbm>>
      %dma_start3A_830 = tpu.memref_slice %arg7[%add3A_54] : memref<16384xf32, #tpu.memory_space<hbm>> -> memref<512xf32, #tpu.memory_space<hbm>>
      %dma_start3A_831 = tpu.memref_slice %arg10[%mul3A_49] : memref<2064xf32, #tpu.memory_space<vmem>> -> memref<512xf32, #tpu.memory_space<vmem>>
      tpu.enqueue_dma source(%dma_start3A_831 : memref<512xf32, #tpu.memory_space<vmem>>) target(%dma_start3A_830 : memref<512xf32, #tpu.memory_space<hbm>>) target_semaphore(%run_scoped3A : memref<!tpu.dma_semaphore, #tpu.memory_space<semaphore_mem>>)
      %dma_wait3A_832 = tpu.memref_slice %arg10[%mul3A_49] : memref<2064xf32, #tpu.memory_space<vmem>> -> memref<512xf32, #tpu.memory_space<vmem>>
      %dma_wait3A_833 = tpu.memref_slice %arg7[%add3A_54] : memref<16384xf32, #tpu.memory_space<hbm>> -> memref<512xf32, #tpu.memory_space<hbm>>
      %dma_wait3A_834 = tpu.memref_slice %arg7[%add3A_54] : memref<16384xf32, #tpu.memory_space<hbm>> -> memref<512xf32, #tpu.memory_space<hbm>>
      %dma_wait3A_835 = tpu.memref_slice %arg10[%mul3A_49] : memref<2064xf32, #tpu.memory_space<vmem>> -> memref<512xf32, #tpu.memory_space<vmem>>
      tpu.wait_dma2 semaphore(%run_scoped3A : memref<!tpu.dma_semaphore, #tpu.memory_space<semaphore_mem>>) src(%dma_wait3A_835 : memref<512xf32, #tpu.memory_space<vmem>>) dst(%dma_wait3A_834 : memref<512xf32, #tpu.memory_space<hbm>>)
      tpu.yield
    }) : () -> ()
    %mul3A_55 = arith.constant 512 : i32
    %mul3A_56 = arith.muli %select_n3A_30, %mul3A_55 : i32
    %add3A_57 = arith.constant 0 : i32
    %add3A_58 = arith.addi %mul3A_56, %add3A_57 : i32
    %add3A_59 = arith.constant 0 : i32
    %add3A_60 = arith.addi %add3A_58, %add3A_59 : i32
    %get3A_61 = arith.index_cast %add3A_60 : i32 to index
    %get3A_62 = tpu.vector_load %arg9[%get3A_61] {strides = array<i32>} : memref<2064xi32, #tpu.memory_space<vmem>>, vector<16xi32>,
    %mul3A_63 = arith.constant 4096 : i32
    %mul3A_64 = arith.muli %select_n3A, %mul3A_63 : i32
    %add3A_65 = vector.broadcast %mul3A_64 : i32 to vector<16xi32>
    %add3A_66 = arith.addi %get3A_62, %add3A_65 : vector<16xi32>
    %swap3A = arith.constant 0 : index
    %swap3A_67 = tpu.vector_load %arg12[%swap3A] {strides = array<i32>} : memref<128xi32, #tpu.memory_space<vmem>>, vector<16xi32>,
    tpu.vector_store %arg12[%swap3A], %add3A_66 {strides = array<i32>} : memref<128xi32, #tpu.memory_space<vmem>>, vector<16xi32>,
    %add3A_68 = arith.constant 16 : i32
    %add3A_69 = arith.addi %add3A_58, %add3A_68 : i32
    %get3A_70 = arith.index_cast %add3A_69 : i32 to index
    %get3A_71 = tpu.vector_load %arg9[%get3A_70] {strides = array<i32>} : memref<2064xi32, #tpu.memory_space<vmem>>, vector<16xi32>,
    %mul3A_72 = arith.constant 4096 : i32
    %mul3A_73 = arith.muli %select_n3A, %mul3A_72 : i32
    %add3A_74 = vector.broadcast %mul3A_73 : i32 to vector<16xi32>
    %add3A_75 = arith.addi %get3A_71, %add3A_74 : vector<16xi32>
    %swap3A_76 = arith.constant 16 : index
    %swap3A_77 = tpu.vector_load %arg12[%swap3A_76] {strides = array<i32>} : memref<128xi32, #tpu.memory_space<vmem>>, vector<16xi32>,
    tpu.vector_store %arg12[%swap3A_76], %add3A_75 {strides = array<i32>} : memref<128xi32, #tpu.memory_space<vmem>>, vector<16xi32>,
    %add3A_78 = arith.constant 32 : i32
    %add3A_79 = arith.addi %add3A_58, %add3A_78 : i32
    %get3A_80 = arith.index_cast %add3A_79 : i32 to index
    %get3A_81 = tpu.vector_load %arg9[%get3A_80] {strides = array<i32>} : memref<2064xi32, #tpu.memory_space<vmem>>, vector<16xi32>,
    %mul3A_82 = arith.constant 4096 : i32
    %mul3A_83 = arith.muli %select_n3A, %mul3A_82 : i32
    %add3A_84 = vector.broadcast %mul3A_83 : i32 to vector<16xi32>
    %add3A_85 = arith.addi %get3A_81, %add3A_84 : vector<16xi32>
    %swap3A_86 = arith.constant 32 : index
    %swap3A_87 = tpu.vector_load %arg12[%swap3A_86] {strides = array<i32>} : memref<128xi32, #tpu.memory_space<vmem>>, vector<16xi32>,
    tpu.vector_store %arg12[%swap3A_86], %add3A_85 {strides = array<i32>} : memref<128xi32, #tpu.memory_space<vmem>>, vector<16xi32>,
    %add3A_88 = arith.constant 48 : i32
    %add3A_89 = arith.addi %add3A_58, %add3A_88 : i32
    %get3A_90 = arith.index_cast %add3A_89 : i32 to index
    %get3A_91 = tpu.vector_load %arg9[%get3A_90] {strides = array<i32>} : memref<2064xi32, #tpu.memory_space<vmem>>, vector<16xi32>,
    %mul3A_92 = arith.constant 4096 : i32
    %mul3A_93 = arith.muli %select_n3A, %mul3A_92 : i32
    %add3A_94 = vector.broadcast %mul3A_93 : i32 to vector<16xi32>
    %add3A_95 = arith.addi %get3A_91, %add3A_94 : vector<16xi32>
    %swap3A_96 = arith.constant 48 : index
    %swap3A_97 = tpu.vector_load %arg12[%swap3A_96] {strides = array<i32>} : memref<128xi32, #tpu.memory_space<vmem>>, vector<16xi32>,
    tpu.vector_store %arg12[%swap3A_96], %add3A_95 {strides = array<i32>} : memref<128xi32, #tpu.memory_space<vmem>>, vector<16xi32>,
    %dma_start3A = arith.constant 0 : i32
    %dma_start3A_98 = arith.constant 0 : i32
    %dma_start3A_99 = arith.constant 0 : i32
    %dma_start3A_100 = tpu.memref_slice %arg13[%dma_start3A, %dma_start3A_98, %dma_start3A_99] : memref<2x64x768xf32, #tpu.memory_space<vmem>> -> memref<1x64x768xf32, #tpu.memory_space<vmem>>
    %dma_start3A_101 = tpu.memref_squeeze %dma_start3A_100 : memref<1x64x768xf32, #tpu.memory_space<vmem>> -> memref<64x768xf32, #tpu.memory_space<vmem>>
    %dma_start3A_102 = arith.constant 0 : i32
    %dma_start3A_103 = tpu.memref_slice %arg12[%dma_start3A_102] : memref<128xi32, #tpu.memory_space<vmem>> -> memref<64xi32, #tpu.memory_space<vmem>>
    %dma_start3A_104 = arith.constant 0 : i32
    %dma_start3A_105 = arith.constant 0 : i32
    %dma_start3A_106 = tpu.memref_slice %arg2[%dma_start3A_104, %dma_start3A_105] : memref<32768x768xf32, #tpu.memory_space<hbm>> -> memref<32768x768xf32, #tpu.memory_space<hbm>>
    tpu.enqueue_indirect_dma source(%dma_start3A_106 : memref<32768x768xf32, #tpu.memory_space<hbm>>) target(%dma_start3A_101 : memref<64x768xf32, #tpu.memory_space<vmem>>) offsets(%dma_start3A_103 : memref<64xi32, #tpu.memory_space<vmem>>) semaphore(%arg14 : memref<!tpu.dma_semaphore, #tpu.memory_space<semaphore_mem>>)
    %dma_wait3A = arith.constant 0 : i32
    %dma_wait3A_107 = arith.constant 0 : i32
    %dma_wait3A_108 = arith.constant 0 : i32
    %dma_wait3A_109 = tpu.memref_slice %arg13[%dma_wait3A, %dma_wait3A_107, %dma_wait3A_108] : memref<2x64x768xf32, #tpu.memory_space<vmem>> -> memref<1x64x768xf32, #tpu.memory_space<vmem>>
    %dma_wait3A_110 = tpu.memref_squeeze %dma_wait3A_109 : memref<1x64x768xf32, #tpu.memory_space<vmem>> -> memref<64x768xf32, #tpu.memory_space<vmem>>
    %dma_wait3A_111 = arith.constant 0 : i32
    %dma_wait3A_112 = tpu.memref_slice %arg12[%dma_wait3A_111] : memref<128xi32, #tpu.memory_space<vmem>> -> memref<64xi32, #tpu.memory_space<vmem>>
    %dma_wait3A_113 = arith.constant 0 : i32
    %dma_wait3A_114 = arith.constant 0 : i32
    %dma_wait3A_115 = tpu.memref_slice %arg2[%dma_wait3A_113, %dma_wait3A_114] : memref<32768x768xf32, #tpu.memory_space<hbm>> -> memref<32768x768xf32, #tpu.memory_space<hbm>>
    tpu.wait_indirect_dma semaphore(%arg14 : memref<!tpu.dma_semaphore, #tpu.memory_space<semaphore_mem>>) src(%dma_wait3A_115 : memref<32768x768xf32, #tpu.memory_space<hbm>>) dst(%dma_wait3A_110 : memref<64x768xf32, #tpu.memory_space<vmem>>)
    %mul3A_116 = arith.constant 512 : i32
    %mul3A_117 = arith.muli %select_n3A_30, %mul3A_116 : i32
    %add3A_118 = arith.constant 64 : i32
    %add3A_119 = arith.addi %mul3A_117, %add3A_118 : i32
    %add3A_120 = arith.constant 0 : i32
    %add3A_121 = arith.addi %add3A_119, %add3A_120 : i32
    %get3A_122 = arith.index_cast %add3A_121 : i32 to index
    %get3A_123 = tpu.vector_load %arg9[%get3A_122] {strides = array<i32>} : memref<2064xi32, #tpu.memory_space<vmem>>, vector<16xi32>,
    %mul3A_124 = arith.constant 4096 : i32
    %mul3A_125 = arith.muli %select_n3A, %mul3A_124 : i32
    %add3A_126 = vector.broadcast %mul3A_125 : i32 to vector<16xi32>
    %add3A_127 = arith.addi %get3A_123, %add3A_126 : vector<16xi32>
    %swap3A_128 = arith.constant 64 : index
    %swap3A_129 = tpu.vector_load %arg12[%swap3A_128] {strides = array<i32>} : memref<128xi32, #tpu.memory_space<vmem>>, vector<16xi32>,
    tpu.vector_store %arg12[%swap3A_128], %add3A_127 {strides = array<i32>} : memref<128xi32, #tpu.memory_space<vmem>>, vector<16xi32>,
    %add3A_130 = arith.constant 16 : i32
    %add3A_131 = arith.addi %add3A_119, %add3A_130 : i32
    %get3A_132 = arith.index_cast %add3A_131 : i32 to index
    %get3A_133 = tpu.vector_load %arg9[%get3A_132] {strides = array<i32>} : memref<2064xi32, #tpu.memory_space<vmem>>, vector<16xi32>,
    %mul3A_134 = arith.constant 4096 : i32
    %mul3A_135 = arith.muli %select_n3A, %mul3A_134 : i32
    %add3A_136 = vector.broadcast %mul3A_135 : i32 to vector<16xi32>
    %add3A_137 = arith.addi %get3A_133, %add3A_136 : vector<16xi32>
    %swap3A_138 = arith.constant 80 : index
    %swap3A_139 = tpu.vector_load %arg12[%swap3A_138] {strides = array<i32>} : memref<128xi32, #tpu.memory_space<vmem>>, vector<16xi32>,
    tpu.vector_store %arg12[%swap3A_138], %add3A_137 {strides = array<i32>} : memref<128xi32, #tpu.memory_space<vmem>>, vector<16xi32>,
    %add3A_140 = arith.constant 32 : i32
    %add3A_141 = arith.addi %add3A_119, %add3A_140 : i32
    %get3A_142 = arith.index_cast %add3A_141 : i32 to index
    %get3A_143 = tpu.vector_load %arg9[%get3A_142] {strides = array<i32>} : memref<2064xi32, #tpu.memory_space<vmem>>, vector<16xi32>,
    %mul3A_144 = arith.constant 4096 : i32
    %mul3A_145 = arith.muli %select_n3A, %mul3A_144 : i32
    %add3A_146 = vector.broadcast %mul3A_145 : i32 to vector<16xi32>
    %add3A_147 = arith.addi %get3A_143, %add3A_146 : vector<16xi32>
    %swap3A_148 = arith.constant 96 : index
    %swap3A_149 = tpu.vector_load %arg12[%swap3A_148] {strides = array<i32>} : memref<128xi32, #tpu.memory_space<vmem>>, vector<16xi32>,
    tpu.vector_store %arg12[%swap3A_148], %add3A_147 {strides = array<i32>} : memref<128xi32, #tpu.memory_space<vmem>>, vector<16xi32>,
    %add3A_150 = arith.constant 48 : i32
    %add3A_151 = arith.addi %add3A_119, %add3A_150 : i32
    %get3A_152 = arith.index_cast %add3A_151 : i32 to index
    %get3A_153 = tpu.vector_load %arg9[%get3A_152] {strides = array<i32>} : memref<2064xi32, #tpu.memory_space<vmem>>, vector<16xi32>,
    %mul3A_154 = arith.constant 4096 : i32
    %mul3A_155 = arith.muli %select_n3A, %mul3A_154 : i32
    %add3A_156 = vector.broadcast %mul3A_155 : i32 to vector<16xi32>
    %add3A_157 = arith.addi %get3A_153, %add3A_156 : vector<16xi32>
    %swap3A_158 = arith.constant 112 : index
    %swap3A_159 = tpu.vector_load %arg12[%swap3A_158] {strides = array<i32>} : memref<128xi32, #tpu.memory_space<vmem>>, vector<16xi32>,
    tpu.vector_store %arg12[%swap3A_158], %add3A_157 {strides = array<i32>} : memref<128xi32, #tpu.memory_space<vmem>>, vector<16xi32>,
    %dma_start3A_160 = arith.constant 1 : i32
    %dma_start3A_161 = arith.constant 0 : i32
    %dma_start3A_162 = arith.constant 0 : i32
    %dma_start3A_163 = tpu.memref_slice %arg13[%dma_start3A_160, %dma_start3A_161, %dma_start3A_162] : memref<2x64x768xf32, #tpu.memory_space<vmem>> -> memref<1x64x768xf32, #tpu.memory_space<vmem>>
    %dma_start3A_164 = tpu.memref_squeeze %dma_start3A_163 : memref<1x64x768xf32, #tpu.memory_space<vmem>> -> memref<64x768xf32, #tpu.memory_space<vmem>>
    %dma_start3A_165 = arith.constant 64 : i32
    %dma_start3A_166 = tpu.memref_slice %arg12[%dma_start3A_165] : memref<128xi32, #tpu.memory_space<vmem>> -> memref<64xi32, #tpu.memory_space<vmem>>
    %dma_start3A_167 = arith.constant 0 : i32
    %dma_start3A_168 = arith.constant 0 : i32
    %dma_start3A_169 = tpu.memref_slice %arg2[%dma_start3A_167, %dma_start3A_168] : memref<32768x768xf32, #tpu.memory_space<hbm>> -> memref<32768x768xf32, #tpu.memory_space<hbm>>
    tpu.enqueue_indirect_dma source(%dma_start3A_169 : memref<32768x768xf32, #tpu.memory_space<hbm>>) target(%dma_start3A_164 : memref<64x768xf32, #tpu.memory_space<vmem>>) offsets(%dma_start3A_166 : memref<64xi32, #tpu.memory_space<vmem>>) semaphore(%arg14 : memref<!tpu.dma_semaphore, #tpu.memory_space<semaphore_mem>>)
    %mul3A_170 = arith.constant 512 : i32
    %mul3A_171 = arith.muli %select_n3A_30, %mul3A_170 : i32
    %add3A_172 = arith.constant 0 : i32
    %add3A_173 = arith.addi %mul3A_171, %add3A_172 : i32
    %mul3A_174 = arith.constant 2048 : i32
    %mul3A_175 = arith.muli %select_n3A, %mul3A_174 : i32
    %add3A_176 = arith.addi %mul3A_175, %add3A_173 : i32
    %dma_start3A_177 = arith.constant 0 : i32
    %dma_start3A_178 = arith.constant 0 : i32
    %dma_start3A_179 = arith.constant 0 : i32
    %dma_start3A_180 = tpu.memref_slice %arg13[%dma_start3A_177, %dma_start3A_178, %dma_start3A_179] : memref<2x64x768xf32, #tpu.memory_space<vmem>> -> memref<1x64x768xf32, #tpu.memory_space<vmem>>
    %dma_start3A_181 = tpu.memref_squeeze %dma_start3A_180 : memref<1x64x768xf32, #tpu.memory_space<vmem>> -> memref<64x768xf32, #tpu.memory_space<vmem>>
    %dma_start3A_182 = arith.constant 0 : i32
    %dma_start3A_183 = tpu.memref_slice %arg5[%add3A_176, %dma_start3A_182] : memref<16384x768xf32, #tpu.memory_space<hbm>> -> memref<64x768xf32, #tpu.memory_space<hbm>>
    %dma_start3A_184 = arith.constant 0 : i32
    %dma_start3A_185 = tpu.memref_slice %arg5[%add3A_176, %dma_start3A_184] : memref<16384x768xf32, #tpu.memory_space<hbm>> -> memref<64x768xf32, #tpu.memory_space<hbm>>
    %dma_start3A_186 = arith.constant 0 : i32
    %dma_start3A_187 = arith.constant 0 : i32
    %dma_start3A_188 = tpu.memref_slice %arg13[%dma_start3A_177, %dma_start3A_186, %dma_start3A_187] : memref<2x64x768xf32, #tpu.memory_space<vmem>> -> memref<1x64x768xf32, #tpu.memory_space<vmem>>
    %dma_start3A_189 = tpu.memref_squeeze %dma_start3A_188 : memref<1x64x768xf32, #tpu.memory_space<vmem>> -> memref<64x768xf32, #tpu.memory_space<vmem>>
    tpu.enqueue_dma source(%dma_start3A_189 : memref<64x768xf32, #tpu.memory_space<vmem>>) target(%dma_start3A_185 : memref<64x768xf32, #tpu.memory_space<hbm>>) target_semaphore(%arg15 : memref<!tpu.dma_semaphore, #tpu.memory_space<semaphore_mem>>)
    %dma_wait3A_190 = arith.constant 1 : i32
    %dma_wait3A_191 = arith.constant 0 : i32
    %dma_wait3A_192 = arith.constant 0 : i32
    %dma_wait3A_193 = tpu.memref_slice %arg13[%dma_wait3A_190, %dma_wait3A_191, %dma_wait3A_192] : memref<2x64x768xf32, #tpu.memory_space<vmem>> -> memref<1x64x768xf32, #tpu.memory_space<vmem>>
    %dma_wait3A_194 = tpu.memref_squeeze %dma_wait3A_193 : memref<1x64x768xf32, #tpu.memory_space<vmem>> -> memref<64x768xf32, #tpu.memory_space<vmem>>
    %dma_wait3A_195 = arith.constant 64 : i32
    %dma_wait3A_196 = tpu.memref_slice %arg12[%dma_wait3A_195] : memref<128xi32, #tpu.memory_space<vmem>> -> memref<64xi32, #tpu.memory_space<vmem>>
    %dma_wait3A_197 = arith.constant 0 : i32
    %dma_wait3A_198 = arith.constant 0 : i32
    %dma_wait3A_199 = tpu.memref_slice %arg2[%dma_wait3A_197, %dma_wait3A_198] : memref<32768x768xf32, #tpu.memory_space<hbm>> -> memref<32768x768xf32, #tpu.memory_space<hbm>>
    tpu.wait_indirect_dma semaphore(%arg14 : memref<!tpu.dma_semaphore, #tpu.memory_space<semaphore_mem>>) src(%dma_wait3A_199 : memref<32768x768xf32, #tpu.memory_space<hbm>>) dst(%dma_wait3A_194 : memref<64x768xf32, #tpu.memory_space<vmem>>)
    %dma_wait3A_200 = arith.constant 0 : i32
    %dma_wait3A_201 = arith.constant 0 : i32
    %dma_wait3A_202 = arith.constant 0 : i32
    %dma_wait3A_203 = tpu.memref_slice %arg13[%dma_wait3A_200, %dma_wait3A_201, %dma_wait3A_202] : memref<2x64x768xf32, #tpu.memory_space<vmem>> -> memref<1x64x768xf32, #tpu.memory_space<vmem>>
    %dma_wait3A_204 = tpu.memref_squeeze %dma_wait3A_203 : memref<1x64x768xf32, #tpu.memory_space<vmem>> -> memref<64x768xf32, #tpu.memory_space<vmem>>
    %dma_wait3A_205 = arith.constant 0 : i32
    %dma_wait3A_206 = tpu.memref_slice %arg5[%add3A_176, %dma_wait3A_205] : memref<16384x768xf32, #tpu.memory_space<hbm>> -> memref<64x768xf32, #tpu.memory_space<hbm>>
    %dma_wait3A_207 = arith.constant 0 : i32
    %dma_wait3A_208 = tpu.memref_slice %arg5[%add3A_176, %dma_wait3A_207] : memref<16384x768xf32, #tpu.memory_space<hbm>> -> memref<64x768xf32, #tpu.memory_space<hbm>>
    %dma_wait3A_209 = arith.constant 0 : i32
    %dma_wait3A_210 = arith.constant 0 : i32
    %dma_wait3A_211 = tpu.memref_slice %arg13[%dma_wait3A_200, %dma_wait3A_209, %dma_wait3A_210] : memref<2x64x768xf32, #tpu.memory_space<vmem>> -> memref<1x64x768xf32, #tpu.memory_space<vmem>>
    %dma_wait3A_212 = tpu.memref_squeeze %dma_wait3A_211 : memref<1x64x768xf32, #tpu.memory_space<vmem>> -> memref<64x768xf32, #tpu.memory_space<vmem>>
    tpu.wait_dma2 semaphore(%arg15 : memref<!tpu.dma_semaphore, #tpu.memory_space<semaphore_mem>>) src(%dma_wait3A_212 : memref<64x768xf32, #tpu.memory_space<vmem>>) dst(%dma_wait3A_208 : memref<64x768xf32, #tpu.memory_space<hbm>>)
    %mul3A_213 = arith.constant 512 : i32
    %mul3A_214 = arith.muli %select_n3A_30, %mul3A_213 : i32
    %add3A_215 = arith.constant 128 : i32
    %add3A_216 = arith.addi %mul3A_214, %add3A_215 : i32
    %add3A_217 = arith.constant 0 : i32
    %add3A_218 = arith.addi %add3A_216, %add3A_217 : i32
    %get3A_219 = arith.index_cast %add3A_218 : i32 to index
    %get3A_220 = tpu.vector_load %arg9[%get3A_219] {strides = array<i32>} : memref<2064xi32, #tpu.memory_space<vmem>>, vector<16xi32>,
    %mul3A_221 = arith.constant 4096 : i32
    %mul3A_222 = arith.muli %select_n3A, %mul3A_221 : i32
    %add3A_223 = vector.broadcast %mul3A_222 : i32 to vector<16xi32>
    %add3A_224 = arith.addi %get3A_220, %add3A_223 : vector<16xi32>
    %swap3A_225 = arith.constant 0 : index
    %swap3A_226 = tpu.vector_load %arg12[%swap3A_225] {strides = array<i32>} : memref<128xi32, #tpu.memory_space<vmem>>, vector<16xi32>,
    tpu.vector_store %arg12[%swap3A_225], %add3A_224 {strides = array<i32>} : memref<128xi32, #tpu.memory_space<vmem>>, vector<16xi32>,
    %add3A_227 = arith.constant 16 : i32
    %add3A_228 = arith.addi %add3A_216, %add3A_227 : i32
    %get3A_229 = arith.index_cast %add3A_228 : i32 to index
    %get3A_230 = tpu.vector_load %arg9[%get3A_229] {strides = array<i32>} : memref<2064xi32, #tpu.memory_space<vmem>>, vector<16xi32>,
    %mul3A_231 = arith.constant 4096 : i32
    %mul3A_232 = arith.muli %select_n3A, %mul3A_231 : i32
    %add3A_233 = vector.broadcast %mul3A_232 : i32 to vector<16xi32>
    %add3A_234 = arith.addi %get3A_230, %add3A_233 : vector<16xi32>
    %swap3A_235 = arith.constant 16 : index
    %swap3A_236 = tpu.vector_load %arg12[%swap3A_235] {strides = array<i32>} : memref<128xi32, #tpu.memory_space<vmem>>, vector<16xi32>,
    tpu.vector_store %arg12[%swap3A_235], %add3A_234 {strides = array<i32>} : memref<128xi32, #tpu.memory_space<vmem>>, vector<16xi32>,
    %add3A_237 = arith.constant 32 : i32
    %add3A_238 = arith.addi %add3A_216, %add3A_237 : i32
    %get3A_239 = arith.index_cast %add3A_238 : i32 to index
    %get3A_240 = tpu.vector_load %arg9[%get3A_239] {strides = array<i32>} : memref<2064xi32, #tpu.memory_space<vmem>>, vector<16xi32>,
    %mul3A_241 = arith.constant 4096 : i32
    %mul3A_242 = arith.muli %select_n3A, %mul3A_241 : i32
    %add3A_243 = vector.broadcast %mul3A_242 : i32 to vector<16xi32>
    %add3A_244 = arith.addi %get3A_240, %add3A_243 : vector<16xi32>
    %swap3A_245 = arith.constant 32 : index
    %swap3A_246 = tpu.vector_load %arg12[%swap3A_245] {strides = array<i32>} : memref<128xi32, #tpu.memory_space<vmem>>, vector<16xi32>,
    tpu.vector_store %arg12[%swap3A_245], %add3A_244 {strides = array<i32>} : memref<128xi32, #tpu.memory_space<vmem>>, vector<16xi32>,
    %add3A_247 = arith.constant 48 : i32
    %add3A_248 = arith.addi %add3A_216, %add3A_247 : i32
    %get3A_249 = arith.index_cast %add3A_248 : i32 to index
    %get3A_250 = tpu.vector_load %arg9[%get3A_249] {strides = array<i32>} : memref<2064xi32, #tpu.memory_space<vmem>>, vector<16xi32>,
    %mul3A_251 = arith.constant 4096 : i32
    %mul3A_252 = arith.muli %select_n3A, %mul3A_251 : i32
    %add3A_253 = vector.broadcast %mul3A_252 : i32 to vector<16xi32>
    %add3A_254 = arith.addi %get3A_250, %add3A_253 : vector<16xi32>
    %swap3A_255 = arith.constant 48 : index
    %swap3A_256 = tpu.vector_load %arg12[%swap3A_255] {strides = array<i32>} : memref<128xi32, #tpu.memory_space<vmem>>, vector<16xi32>,
    tpu.vector_store %arg12[%swap3A_255], %add3A_254 {strides = array<i32>} : memref<128xi32, #tpu.memory_space<vmem>>, vector<16xi32>,
    %dma_start3A_257 = arith.constant 0 : i32
    %dma_start3A_258 = arith.constant 0 : i32
    %dma_start3A_259 = arith.constant 0 : i32
    %dma_start3A_260 = tpu.memref_slice %arg13[%dma_start3A_257, %dma_start3A_258, %dma_start3A_259] : memref<2x64x768xf32, #tpu.memory_space<vmem>> -> memref<1x64x768xf32, #tpu.memory_space<vmem>>
    %dma_start3A_261 = tpu.memref_squeeze %dma_start3A_260 : memref<1x64x768xf32, #tpu.memory_space<vmem>> -> memref<64x768xf32, #tpu.memory_space<vmem>>
    %dma_start3A_262 = arith.constant 0 : i32
    %dma_start3A_263 = tpu.memref_slice %arg12[%dma_start3A_262] : memref<128xi32, #tpu.memory_space<vmem>> -> memref<64xi32, #tpu.memory_space<vmem>>
    %dma_start3A_264 = arith.constant 0 : i32
    %dma_start3A_265 = arith.constant 0 : i32
    %dma_start3A_266 = tpu.memref_slice %arg2[%dma_start3A_264, %dma_start3A_265] : memref<32768x768xf32, #tpu.memory_space<hbm>> -> memref<32768x768xf32, #tpu.memory_space<hbm>>
    tpu.enqueue_indirect_dma source(%dma_start3A_266 : memref<32768x768xf32, #tpu.memory_space<hbm>>) target(%dma_start3A_261 : memref<64x768xf32, #tpu.memory_space<vmem>>) offsets(%dma_start3A_263 : memref<64xi32, #tpu.memory_space<vmem>>) semaphore(%arg14 : memref<!tpu.dma_semaphore, #tpu.memory_space<semaphore_mem>>)
    %mul3A_267 = arith.constant 512 : i32
    %mul3A_268 = arith.muli %select_n3A_30, %mul3A_267 : i32
    %add3A_269 = arith.constant 64 : i32
    %add3A_270 = arith.addi %mul3A_268, %add3A_269 : i32
    %mul3A_271 = arith.constant 2048 : i32
    %mul3A_272 = arith.muli %select_n3A, %mul3A_271 : i32
    %add3A_273 = arith.addi %mul3A_272, %add3A_270 : i32
    %dma_start3A_274 = arith.constant 1 : i32
    %dma_start3A_275 = arith.constant 0 : i32
    %dma_start3A_276 = arith.constant 0 : i32
    %dma_start3A_277 = tpu.memref_slice %arg13[%dma_start3A_274, %dma_start3A_275, %dma_start3A_276] : memref<2x64x768xf32, #tpu.memory_space<vmem>> -> memref<1x64x768xf32, #tpu.memory_space<vmem>>
    %dma_start3A_278 = tpu.memref_squeeze %dma_start3A_277 : memref<1x64x768xf32, #tpu.memory_space<vmem>> -> memref<64x768xf32, #tpu.memory_space<vmem>>
    %dma_start3A_279 = arith.constant 0 : i32
    %dma_start3A_280 = tpu.memref_slice %arg5[%add3A_273, %dma_start3A_279] : memref<16384x768xf32, #tpu.memory_space<hbm>> -> memref<64x768xf32, #tpu.memory_space<hbm>>
    %dma_start3A_281 = arith.constant 0 : i32
    %dma_start3A_282 = tpu.memref_slice %arg5[%add3A_273, %dma_start3A_281] : memref<16384x768xf32, #tpu.memory_space<hbm>> -> memref<64x768xf32, #tpu.memory_space<hbm>>
    %dma_start3A_283 = arith.constant 0 : i32
    %dma_start3A_284 = arith.constant 0 : i32
    %dma_start3A_285 = tpu.memref_slice %arg13[%dma_start3A_274, %dma_start3A_283, %dma_start3A_284] : memref<2x64x768xf32, #tpu.memory_space<vmem>> -> memref<1x64x768xf32, #tpu.memory_space<vmem>>
    %dma_start3A_286 = tpu.memref_squeeze %dma_start3A_285 : memref<1x64x768xf32, #tpu.memory_space<vmem>> -> memref<64x768xf32, #tpu.memory_space<vmem>>
    tpu.enqueue_dma source(%dma_start3A_286 : memref<64x768xf32, #tpu.memory_space<vmem>>) target(%dma_start3A_282 : memref<64x768xf32, #tpu.memory_space<hbm>>) target_semaphore(%arg16 : memref<!tpu.dma_semaphore, #tpu.memory_space<semaphore_mem>>)
    %dma_wait3A_287 = arith.constant 0 : i32
    %dma_wait3A_288 = arith.constant 0 : i32
    %dma_wait3A_289 = arith.constant 0 : i32
    %dma_wait3A_290 = tpu.memref_slice %arg13[%dma_wait3A_287, %dma_wait3A_288, %dma_wait3A_289] : memref<2x64x768xf32, #tpu.memory_space<vmem>> -> memref<1x64x768xf32, #tpu.memory_space<vmem>>
    %dma_wait3A_291 = tpu.memref_squeeze %dma_wait3A_290 : memref<1x64x768xf32, #tpu.memory_space<vmem>> -> memref<64x768xf32, #tpu.memory_space<vmem>>
    %dma_wait3A_292 = arith.constant 0 : i32
    %dma_wait3A_293 = tpu.memref_slice %arg12[%dma_wait3A_292] : memref<128xi32, #tpu.memory_space<vmem>> -> memref<64xi32, #tpu.memory_space<vmem>>
    %dma_wait3A_294 = arith.constant 0 : i32
    %dma_wait3A_295 = arith.constant 0 : i32
    %dma_wait3A_296 = tpu.memref_slice %arg2[%dma_wait3A_294, %dma_wait3A_295] : memref<32768x768xf32, #tpu.memory_space<hbm>> -> memref<32768x768xf32, #tpu.memory_space<hbm>>
    tpu.wait_indirect_dma semaphore(%arg14 : memref<!tpu.dma_semaphore, #tpu.memory_space<semaphore_mem>>) src(%dma_wait3A_296 : memref<32768x768xf32, #tpu.memory_space<hbm>>) dst(%dma_wait3A_291 : memref<64x768xf32, #tpu.memory_space<vmem>>)
    %dma_wait3A_297 = arith.constant 1 : i32
    %dma_wait3A_298 = arith.constant 0 : i32
    %dma_wait3A_299 = arith.constant 0 : i32
    %dma_wait3A_300 = tpu.memref_slice %arg13[%dma_wait3A_297, %dma_wait3A_298, %dma_wait3A_299] : memref<2x64x768xf32, #tpu.memory_space<vmem>> -> memref<1x64x768xf32, #tpu.memory_space<vmem>>
    %dma_wait3A_301 = tpu.memref_squeeze %dma_wait3A_300 : memref<1x64x768xf32, #tpu.memory_space<vmem>> -> memref<64x768xf32, #tpu.memory_space<vmem>>
    %dma_wait3A_302 = arith.constant 0 : i32
    %dma_wait3A_303 = tpu.memref_slice %arg5[%add3A_273, %dma_wait3A_302] : memref<16384x768xf32, #tpu.memory_space<hbm>> -> memref<64x768xf32, #tpu.memory_space<hbm>>
    %dma_wait3A_304 = arith.constant 0 : i32
    %dma_wait3A_305 = tpu.memref_slice %arg5[%add3A_273, %dma_wait3A_304] : memref<16384x768xf32, #tpu.memory_space<hbm>> -> memref<64x768xf32, #tpu.memory_space<hbm>>
    %dma_wait3A_306 = arith.constant 0 : i32
    %dma_wait3A_307 = arith.constant 0 : i32
    %dma_wait3A_308 = tpu.memref_slice %arg13[%dma_wait3A_297, %dma_wait3A_306, %dma_wait3A_307] : memref<2x64x768xf32, #tpu.memory_space<vmem>> -> memref<1x64x768xf32, #tpu.memory_space<vmem>>
    %dma_wait3A_309 = tpu.memref_squeeze %dma_wait3A_308 : memref<1x64x768xf32, #tpu.memory_space<vmem>> -> memref<64x768xf32, #tpu.memory_space<vmem>>
    tpu.wait_dma2 semaphore(%arg16 : memref<!tpu.dma_semaphore, #tpu.memory_space<semaphore_mem>>) src(%dma_wait3A_309 : memref<64x768xf32, #tpu.memory_space<vmem>>) dst(%dma_wait3A_305 : memref<64x768xf32, #tpu.memory_space<hbm>>)
    %mul3A_310 = arith.constant 512 : i32
    %mul3A_311 = arith.muli %select_n3A_30, %mul3A_310 : i32
    %add3A_312 = arith.constant 192 : i32
    %add3A_313 = arith.addi %mul3A_311, %add3A_312 : i32
    %add3A_314 = arith.constant 0 : i32
    %add3A_315 = arith.addi %add3A_313, %add3A_314 : i32
    %get3A_316 = arith.index_cast %add3A_315 : i32 to index
    %get3A_317 = tpu.vector_load %arg9[%get3A_316] {strides = array<i32>} : memref<2064xi32, #tpu.memory_space<vmem>>, vector<16xi32>,
    %mul3A_318 = arith.constant 4096 : i32
    %mul3A_319 = arith.muli %select_n3A, %mul3A_318 : i32
    %add3A_320 = vector.broadcast %mul3A_319 : i32 to vector<16xi32>
    %add3A_321 = arith.addi %get3A_317, %add3A_320 : vector<16xi32>
    %swap3A_322 = arith.constant 64 : index
    %swap3A_323 = tpu.vector_load %arg12[%swap3A_322] {strides = array<i32>} : memref<128xi32, #tpu.memory_space<vmem>>, vector<16xi32>,
    tpu.vector_store %arg12[%swap3A_322], %add3A_321 {strides = array<i32>} : memref<128xi32, #tpu.memory_space<vmem>>, vector<16xi32>,
    %add3A_324 = arith.constant 16 : i32
    %add3A_325 = arith.addi %add3A_313, %add3A_324 : i32
    %get3A_326 = arith.index_cast %add3A_325 : i32 to index
    %get3A_327 = tpu.vector_load %arg9[%get3A_326] {strides = array<i32>} : memref<2064xi32, #tpu.memory_space<vmem>>, vector<16xi32>,
    %mul3A_328 = arith.constant 4096 : i32
    %mul3A_329 = arith.muli %select_n3A, %mul3A_328 : i32
    %add3A_330 = vector.broadcast %mul3A_329 : i32 to vector<16xi32>
    %add3A_331 = arith.addi %get3A_327, %add3A_330 : vector<16xi32>
    %swap3A_332 = arith.constant 80 : index
    %swap3A_333 = tpu.vector_load %arg12[%swap3A_332] {strides = array<i32>} : memref<128xi32, #tpu.memory_space<vmem>>, vector<16xi32>,
    tpu.vector_store %arg12[%swap3A_332], %add3A_331 {strides = array<i32>} : memref<128xi32, #tpu.memory_space<vmem>>, vector<16xi32>,
    %add3A_334 = arith.constant 32 : i32
    %add3A_335 = arith.addi %add3A_313, %add3A_334 : i32
    %get3A_336 = arith.index_cast %add3A_335 : i32 to index
    %get3A_337 = tpu.vector_load %arg9[%get3A_336] {strides = array<i32>} : memref<2064xi32, #tpu.memory_space<vmem>>, vector<16xi32>,
    %mul3A_338 = arith.constant 4096 : i32
    %mul3A_339 = arith.muli %select_n3A, %mul3A_338 : i32
    %add3A_340 = vector.broadcast %mul3A_339 : i32 to vector<16xi32>
    %add3A_341 = arith.addi %get3A_337, %add3A_340 : vector<16xi32>
    %swap3A_342 = arith.constant 96 : index
    %swap3A_343 = tpu.vector_load %arg12[%swap3A_342] {strides = array<i32>} : memref<128xi32, #tpu.memory_space<vmem>>, vector<16xi32>,
    tpu.vector_store %arg12[%swap3A_342], %add3A_341 {strides = array<i32>} : memref<128xi32, #tpu.memory_space<vmem>>, vector<16xi32>,
    %add3A_344 = arith.constant 48 : i32
    %add3A_345 = arith.addi %add3A_313, %add3A_344 : i32
    %get3A_346 = arith.index_cast %add3A_345 : i32 to index
    %get3A_347 = tpu.vector_load %arg9[%get3A_346] {strides = array<i32>} : memref<2064xi32, #tpu.memory_space<vmem>>, vector<16xi32>,
    %mul3A_348 = arith.constant 4096 : i32
    %mul3A_349 = arith.muli %select_n3A, %mul3A_348 : i32
    %add3A_350 = vector.broadcast %mul3A_349 : i32 to vector<16xi32>
    %add3A_351 = arith.addi %get3A_347, %add3A_350 : vector<16xi32>
    %swap3A_352 = arith.constant 112 : index
    %swap3A_353 = tpu.vector_load %arg12[%swap3A_352] {strides = array<i32>} : memref<128xi32, #tpu.memory_space<vmem>>, vector<16xi32>,
    tpu.vector_store %arg12[%swap3A_352], %add3A_351 {strides = array<i32>} : memref<128xi32, #tpu.memory_space<vmem>>, vector<16xi32>,
    %dma_start3A_354 = arith.constant 1 : i32
    %dma_start3A_355 = arith.constant 0 : i32
    %dma_start3A_356 = arith.constant 0 : i32
    %dma_start3A_357 = tpu.memref_slice %arg13[%dma_start3A_354, %dma_start3A_355, %dma_start3A_356] : memref<2x64x768xf32, #tpu.memory_space<vmem>> -> memref<1x64x768xf32, #tpu.memory_space<vmem>>
    %dma_start3A_358 = tpu.memref_squeeze %dma_start3A_357 : memref<1x64x768xf32, #tpu.memory_space<vmem>> -> memref<64x768xf32, #tpu.memory_space<vmem>>
    %dma_start3A_359 = arith.constant 64 : i32
    %dma_start3A_360 = tpu.memref_slice %arg12[%dma_start3A_359] : memref<128xi32, #tpu.memory_space<vmem>> -> memref<64xi32, #tpu.memory_space<vmem>>
    %dma_start3A_361 = arith.constant 0 : i32
    %dma_start3A_362 = arith.constant 0 : i32
    %dma_start3A_363 = tpu.memref_slice %arg2[%dma_start3A_361, %dma_start3A_362] : memref<32768x768xf32, #tpu.memory_space<hbm>> -> memref<32768x768xf32, #tpu.memory_space<hbm>>
    tpu.enqueue_indirect_dma source(%dma_start3A_363 : memref<32768x768xf32, #tpu.memory_space<hbm>>) target(%dma_start3A_358 : memref<64x768xf32, #tpu.memory_space<vmem>>) offsets(%dma_start3A_360 : memref<64xi32, #tpu.memory_space<vmem>>) semaphore(%arg14 : memref<!tpu.dma_semaphore, #tpu.memory_space<semaphore_mem>>)
    %mul3A_364 = arith.constant 512 : i32
    %mul3A_365 = arith.muli %select_n3A_30, %mul3A_364 : i32
    %add3A_366 = arith.constant 128 : i32
    %add3A_367 = arith.addi %mul3A_365, %add3A_366 : i32
    %mul3A_368 = arith.constant 2048 : i32
    %mul3A_369 = arith.muli %select_n3A, %mul3A_368 : i32
    %add3A_370 = arith.addi %mul3A_369, %add3A_367 : i32
    %dma_start3A_371 = arith.constant 0 : i32
    %dma_start3A_372 = arith.constant 0 : i32
    %dma_start3A_373 = arith.constant 0 : i32
    %dma_start3A_374 = tpu.memref_slice %arg13[%dma_start3A_371, %dma_start3A_372, %dma_start3A_373] : memref<2x64x768xf32, #tpu.memory_space<vmem>> -> memref<1x64x768xf32, #tpu.memory_space<vmem>>
    %dma_start3A_375 = tpu.memref_squeeze %dma_start3A_374 : memref<1x64x768xf32, #tpu.memory_space<vmem>> -> memref<64x768xf32, #tpu.memory_space<vmem>>
    %dma_start3A_376 = arith.constant 0 : i32
    %dma_start3A_377 = tpu.memref_slice %arg5[%add3A_370, %dma_start3A_376] : memref<16384x768xf32, #tpu.memory_space<hbm>> -> memref<64x768xf32, #tpu.memory_space<hbm>>
    %dma_start3A_378 = arith.constant 0 : i32
    %dma_start3A_379 = tpu.memref_slice %arg5[%add3A_370, %dma_start3A_378] : memref<16384x768xf32, #tpu.memory_space<hbm>> -> memref<64x768xf32, #tpu.memory_space<hbm>>
    %dma_start3A_380 = arith.constant 0 : i32
    %dma_start3A_381 = arith.constant 0 : i32
    %dma_start3A_382 = tpu.memref_slice %arg13[%dma_start3A_371, %dma_start3A_380, %dma_start3A_381] : memref<2x64x768xf32, #tpu.memory_space<vmem>> -> memref<1x64x768xf32, #tpu.memory_space<vmem>>
    %dma_start3A_383 = tpu.memref_squeeze %dma_start3A_382 : memref<1x64x768xf32, #tpu.memory_space<vmem>> -> memref<64x768xf32, #tpu.memory_space<vmem>>
    tpu.enqueue_dma source(%dma_start3A_383 : memref<64x768xf32, #tpu.memory_space<vmem>>) target(%dma_start3A_379 : memref<64x768xf32, #tpu.memory_space<hbm>>) target_semaphore(%arg15 : memref<!tpu.dma_semaphore, #tpu.memory_space<semaphore_mem>>)
    %dma_wait3A_384 = arith.constant 1 : i32
    %dma_wait3A_385 = arith.constant 0 : i32
    %dma_wait3A_386 = arith.constant 0 : i32
    %dma_wait3A_387 = tpu.memref_slice %arg13[%dma_wait3A_384, %dma_wait3A_385, %dma_wait3A_386] : memref<2x64x768xf32, #tpu.memory_space<vmem>> -> memref<1x64x768xf32, #tpu.memory_space<vmem>>
    %dma_wait3A_388 = tpu.memref_squeeze %dma_wait3A_387 : memref<1x64x768xf32, #tpu.memory_space<vmem>> -> memref<64x768xf32, #tpu.memory_space<vmem>>
    %dma_wait3A_389 = arith.constant 64 : i32
    %dma_wait3A_390 = tpu.memref_slice %arg12[%dma_wait3A_389] : memref<128xi32, #tpu.memory_space<vmem>> -> memref<64xi32, #tpu.memory_space<vmem>>
    %dma_wait3A_391 = arith.constant 0 : i32
    %dma_wait3A_392 = arith.constant 0 : i32
    %dma_wait3A_393 = tpu.memref_slice %arg2[%dma_wait3A_391, %dma_wait3A_392] : memref<32768x768xf32, #tpu.memory_space<hbm>> -> memref<32768x768xf32, #tpu.memory_space<hbm>>
    tpu.wait_indirect_dma semaphore(%arg14 : memref<!tpu.dma_semaphore, #tpu.memory_space<semaphore_mem>>) src(%dma_wait3A_393 : memref<32768x768xf32, #tpu.memory_space<hbm>>) dst(%dma_wait3A_388 : memref<64x768xf32, #tpu.memory_space<vmem>>)
    %dma_wait3A_394 = arith.constant 0 : i32
    %dma_wait3A_395 = arith.constant 0 : i32
    %dma_wait3A_396 = arith.constant 0 : i32
    %dma_wait3A_397 = tpu.memref_slice %arg13[%dma_wait3A_394, %dma_wait3A_395, %dma_wait3A_396] : memref<2x64x768xf32, #tpu.memory_space<vmem>> -> memref<1x64x768xf32, #tpu.memory_space<vmem>>
    %dma_wait3A_398 = tpu.memref_squeeze %dma_wait3A_397 : memref<1x64x768xf32, #tpu.memory_space<vmem>> -> memref<64x768xf32, #tpu.memory_space<vmem>>
    %dma_wait3A_399 = arith.constant 0 : i32
    %dma_wait3A_400 = tpu.memref_slice %arg5[%add3A_370, %dma_wait3A_399] : memref<16384x768xf32, #tpu.memory_space<hbm>> -> memref<64x768xf32, #tpu.memory_space<hbm>>
    %dma_wait3A_401 = arith.constant 0 : i32
    %dma_wait3A_402 = tpu.memref_slice %arg5[%add3A_370, %dma_wait3A_401] : memref<16384x768xf32, #tpu.memory_space<hbm>> -> memref<64x768xf32, #tpu.memory_space<hbm>>
    %dma_wait3A_403 = arith.constant 0 : i32
    %dma_wait3A_404 = arith.constant 0 : i32
    %dma_wait3A_405 = tpu.memref_slice %arg13[%dma_wait3A_394, %dma_wait3A_403, %dma_wait3A_404] : memref<2x64x768xf32, #tpu.memory_space<vmem>> -> memref<1x64x768xf32, #tpu.memory_space<vmem>>
    %dma_wait3A_406 = tpu.memref_squeeze %dma_wait3A_405 : memref<1x64x768xf32, #tpu.memory_space<vmem>> -> memref<64x768xf32, #tpu.memory_space<vmem>>
    tpu.wait_dma2 semaphore(%arg15 : memref<!tpu.dma_semaphore, #tpu.memory_space<semaphore_mem>>) src(%dma_wait3A_406 : memref<64x768xf32, #tpu.memory_space<vmem>>) dst(%dma_wait3A_402 : memref<64x768xf32, #tpu.memory_space<hbm>>)
    %mul3A_407 = arith.constant 512 : i32
    %mul3A_408 = arith.muli %select_n3A_30, %mul3A_407 : i32
    %add3A_409 = arith.constant 256 : i32
    %add3A_410 = arith.addi %mul3A_408, %add3A_409 : i32
    %add3A_411 = arith.constant 0 : i32
    %add3A_412 = arith.addi %add3A_410, %add3A_411 : i32
    %get3A_413 = arith.index_cast %add3A_412 : i32 to index
    %get3A_414 = tpu.vector_load %arg9[%get3A_413] {strides = array<i32>} : memref<2064xi32, #tpu.memory_space<vmem>>, vector<16xi32>,
    %mul3A_415 = arith.constant 4096 : i32
    %mul3A_416 = arith.muli %select_n3A, %mul3A_415 : i32
    %add3A_417 = vector.broadcast %mul3A_416 : i32 to vector<16xi32>
    %add3A_418 = arith.addi %get3A_414, %add3A_417 : vector<16xi32>
    %swap3A_419 = arith.constant 0 : index
    %swap3A_420 = tpu.vector_load %arg12[%swap3A_419] {strides = array<i32>} : memref<128xi32, #tpu.memory_space<vmem>>, vector<16xi32>,
    tpu.vector_store %arg12[%swap3A_419], %add3A_418 {strides = array<i32>} : memref<128xi32, #tpu.memory_space<vmem>>, vector<16xi32>,
    %add3A_421 = arith.constant 16 : i32
    %add3A_422 = arith.addi %add3A_410, %add3A_421 : i32
    %get3A_423 = arith.index_cast %add3A_422 : i32 to index
    %get3A_424 = tpu.vector_load %arg9[%get3A_423] {strides = array<i32>} : memref<2064xi32, #tpu.memory_space<vmem>>, vector<16xi32>,
    %mul3A_425 = arith.constant 4096 : i32
    %mul3A_426 = arith.muli %select_n3A, %mul3A_425 : i32
    %add3A_427 = vector.broadcast %mul3A_426 : i32 to vector<16xi32>
    %add3A_428 = arith.addi %get3A_424, %add3A_427 : vector<16xi32>
    %swap3A_429 = arith.constant 16 : index
    %swap3A_430 = tpu.vector_load %arg12[%swap3A_429] {strides = array<i32>} : memref<128xi32, #tpu.memory_space<vmem>>, vector<16xi32>,
    tpu.vector_store %arg12[%swap3A_429], %add3A_428 {strides = array<i32>} : memref<128xi32, #tpu.memory_space<vmem>>, vector<16xi32>,
    %add3A_431 = arith.constant 32 : i32
    %add3A_432 = arith.addi %add3A_410, %add3A_431 : i32
    %get3A_433 = arith.index_cast %add3A_432 : i32 to index
    %get3A_434 = tpu.vector_load %arg9[%get3A_433] {strides = array<i32>} : memref<2064xi32, #tpu.memory_space<vmem>>, vector<16xi32>,
    %mul3A_435 = arith.constant 4096 : i32
    %mul3A_436 = arith.muli %select_n3A, %mul3A_435 : i32
    %add3A_437 = vector.broadcast %mul3A_436 : i32 to vector<16xi32>
    %add3A_438 = arith.addi %get3A_434, %add3A_437 : vector<16xi32>
    %swap3A_439 = arith.constant 32 : index
    %swap3A_440 = tpu.vector_load %arg12[%swap3A_439] {strides = array<i32>} : memref<128xi32, #tpu.memory_space<vmem>>, vector<16xi32>,
    tpu.vector_store %arg12[%swap3A_439], %add3A_438 {strides = array<i32>} : memref<128xi32, #tpu.memory_space<vmem>>, vector<16xi32>,
    %add3A_441 = arith.constant 48 : i32
    %add3A_442 = arith.addi %add3A_410, %add3A_441 : i32
    %get3A_443 = arith.index_cast %add3A_442 : i32 to index
    %get3A_444 = tpu.vector_load %arg9[%get3A_443] {strides = array<i32>} : memref<2064xi32, #tpu.memory_space<vmem>>, vector<16xi32>,
    %mul3A_445 = arith.constant 4096 : i32
    %mul3A_446 = arith.muli %select_n3A, %mul3A_445 : i32
    %add3A_447 = vector.broadcast %mul3A_446 : i32 to vector<16xi32>
    %add3A_448 = arith.addi %get3A_444, %add3A_447 : vector<16xi32>
    %swap3A_449 = arith.constant 48 : index
    %swap3A_450 = tpu.vector_load %arg12[%swap3A_449] {strides = array<i32>} : memref<128xi32, #tpu.memory_space<vmem>>, vector<16xi32>,
    tpu.vector_store %arg12[%swap3A_449], %add3A_448 {strides = array<i32>} : memref<128xi32, #tpu.memory_space<vmem>>, vector<16xi32>,
    %dma_start3A_451 = arith.constant 0 : i32
    %dma_start3A_452 = arith.constant 0 : i32
    %dma_start3A_453 = arith.constant 0 : i32
    %dma_start3A_454 = tpu.memref_slice %arg13[%dma_start3A_451, %dma_start3A_452, %dma_start3A_453] : memref<2x64x768xf32, #tpu.memory_space<vmem>> -> memref<1x64x768xf32, #tpu.memory_space<vmem>>
    %dma_start3A_455 = tpu.memref_squeeze %dma_start3A_454 : memref<1x64x768xf32, #tpu.memory_space<vmem>> -> memref<64x768xf32, #tpu.memory_space<vmem>>
    %dma_start3A_456 = arith.constant 0 : i32
    %dma_start3A_457 = tpu.memref_slice %arg12[%dma_start3A_456] : memref<128xi32, #tpu.memory_space<vmem>> -> memref<64xi32, #tpu.memory_space<vmem>>
    %dma_start3A_458 = arith.constant 0 : i32
    %dma_start3A_459 = arith.constant 0 : i32
    %dma_start3A_460 = tpu.memref_slice %arg2[%dma_start3A_458, %dma_start3A_459] : memref<32768x768xf32, #tpu.memory_space<hbm>> -> memref<32768x768xf32, #tpu.memory_space<hbm>>
    tpu.enqueue_indirect_dma source(%dma_start3A_460 : memref<32768x768xf32, #tpu.memory_space<hbm>>) target(%dma_start3A_455 : memref<64x768xf32, #tpu.memory_space<vmem>>) offsets(%dma_start3A_457 : memref<64xi32, #tpu.memory_space<vmem>>) semaphore(%arg14 : memref<!tpu.dma_semaphore, #tpu.memory_space<semaphore_mem>>)
    %mul3A_461 = arith.constant 512 : i32
    %mul3A_462 = arith.muli %select_n3A_30, %mul3A_461 : i32
    %add3A_463 = arith.constant 192 : i32
    %add3A_464 = arith.addi %mul3A_462, %add3A_463 : i32
    %mul3A_465 = arith.constant 2048 : i32
    %mul3A_466 = arith.muli %select_n3A, %mul3A_465 : i32
    %add3A_467 = arith.addi %mul3A_466, %add3A_464 : i32
    %dma_start3A_468 = arith.constant 1 : i32
    %dma_start3A_469 = arith.constant 0 : i32
    %dma_start3A_470 = arith.constant 0 : i32
    %dma_start3A_471 = tpu.memref_slice %arg13[%dma_start3A_468, %dma_start3A_469, %dma_start3A_470] : memref<2x64x768xf32, #tpu.memory_space<vmem>> -> memref<1x64x768xf32, #tpu.memory_space<vmem>>
    %dma_start3A_472 = tpu.memref_squeeze %dma_start3A_471 : memref<1x64x768xf32, #tpu.memory_space<vmem>> -> memref<64x768xf32, #tpu.memory_space<vmem>>
    %dma_start3A_473 = arith.constant 0 : i32
    %dma_start3A_474 = tpu.memref_slice %arg5[%add3A_467, %dma_start3A_473] : memref<16384x768xf32, #tpu.memory_space<hbm>> -> memref<64x768xf32, #tpu.memory_space<hbm>>
    %dma_start3A_475 = arith.constant 0 : i32
    %dma_start3A_476 = tpu.memref_slice %arg5[%add3A_467, %dma_start3A_475] : memref<16384x768xf32, #tpu.memory_space<hbm>> -> memref<64x768xf32, #tpu.memory_space<hbm>>
    %dma_start3A_477 = arith.constant 0 : i32
    %dma_start3A_478 = arith.constant 0 : i32
    %dma_start3A_479 = tpu.memref_slice %arg13[%dma_start3A_468, %dma_start3A_477, %dma_start3A_478] : memref<2x64x768xf32, #tpu.memory_space<vmem>> -> memref<1x64x768xf32, #tpu.memory_space<vmem>>
    %dma_start3A_480 = tpu.memref_squeeze %dma_start3A_479 : memref<1x64x768xf32, #tpu.memory_space<vmem>> -> memref<64x768xf32, #tpu.memory_space<vmem>>
    tpu.enqueue_dma source(%dma_start3A_480 : memref<64x768xf32, #tpu.memory_space<vmem>>) target(%dma_start3A_476 : memref<64x768xf32, #tpu.memory_space<hbm>>) target_semaphore(%arg16 : memref<!tpu.dma_semaphore, #tpu.memory_space<semaphore_mem>>)
    %dma_wait3A_481 = arith.constant 0 : i32
    %dma_wait3A_482 = arith.constant 0 : i32
    %dma_wait3A_483 = arith.constant 0 : i32
    %dma_wait3A_484 = tpu.memref_slice %arg13[%dma_wait3A_481, %dma_wait3A_482, %dma_wait3A_483] : memref<2x64x768xf32, #tpu.memory_space<vmem>> -> memref<1x64x768xf32, #tpu.memory_space<vmem>>
    %dma_wait3A_485 = tpu.memref_squeeze %dma_wait3A_484 : memref<1x64x768xf32, #tpu.memory_space<vmem>> -> memref<64x768xf32, #tpu.memory_space<vmem>>
    %dma_wait3A_486 = arith.constant 0 : i32
    %dma_wait3A_487 = tpu.memref_slice %arg12[%dma_wait3A_486] : memref<128xi32, #tpu.memory_space<vmem>> -> memref<64xi32, #tpu.memory_space<vmem>>
    %dma_wait3A_488 = arith.constant 0 : i32
    %dma_wait3A_489 = arith.constant 0 : i32
    %dma_wait3A_490 = tpu.memref_slice %arg2[%dma_wait3A_488, %dma_wait3A_489] : memref<32768x768xf32, #tpu.memory_space<hbm>> -> memref<32768x768xf32, #tpu.memory_space<hbm>>
    tpu.wait_indirect_dma semaphore(%arg14 : memref<!tpu.dma_semaphore, #tpu.memory_space<semaphore_mem>>) src(%dma_wait3A_490 : memref<32768x768xf32, #tpu.memory_space<hbm>>) dst(%dma_wait3A_485 : memref<64x768xf32, #tpu.memory_space<vmem>>)
    %dma_wait3A_491 = arith.constant 1 : i32
    %dma_wait3A_492 = arith.constant 0 : i32
    %dma_wait3A_493 = arith.constant 0 : i32
    %dma_wait3A_494 = tpu.memref_slice %arg13[%dma_wait3A_491, %dma_wait3A_492, %dma_wait3A_493] : memref<2x64x768xf32, #tpu.memory_space<vmem>> -> memref<1x64x768xf32, #tpu.memory_space<vmem>>
    %dma_wait3A_495 = tpu.memref_squeeze %dma_wait3A_494 : memref<1x64x768xf32, #tpu.memory_space<vmem>> -> memref<64x768xf32, #tpu.memory_space<vmem>>
    %dma_wait3A_496 = arith.constant 0 : i32
    %dma_wait3A_497 = tpu.memref_slice %arg5[%add3A_467, %dma_wait3A_496] : memref<16384x768xf32, #tpu.memory_space<hbm>> -> memref<64x768xf32, #tpu.memory_space<hbm>>
    %dma_wait3A_498 = arith.constant 0 : i32
    %dma_wait3A_499 = tpu.memref_slice %arg5[%add3A_467, %dma_wait3A_498] : memref<16384x768xf32, #tpu.memory_space<hbm>> -> memref<64x768xf32, #tpu.memory_space<hbm>>
    %dma_wait3A_500 = arith.constant 0 : i32
    %dma_wait3A_501 = arith.constant 0 : i32
    %dma_wait3A_502 = tpu.memref_slice %arg13[%dma_wait3A_491, %dma_wait3A_500, %dma_wait3A_501] : memref<2x64x768xf32, #tpu.memory_space<vmem>> -> memref<1x64x768xf32, #tpu.memory_space<vmem>>
    %dma_wait3A_503 = tpu.memref_squeeze %dma_wait3A_502 : memref<1x64x768xf32, #tpu.memory_space<vmem>> -> memref<64x768xf32, #tpu.memory_space<vmem>>
    tpu.wait_dma2 semaphore(%arg16 : memref<!tpu.dma_semaphore, #tpu.memory_space<semaphore_mem>>) src(%dma_wait3A_503 : memref<64x768xf32, #tpu.memory_space<vmem>>) dst(%dma_wait3A_499 : memref<64x768xf32, #tpu.memory_space<hbm>>)
    %mul3A_504 = arith.constant 512 : i32
    %mul3A_505 = arith.muli %select_n3A_30, %mul3A_504 : i32
    %add3A_506 = arith.constant 320 : i32
    %add3A_507 = arith.addi %mul3A_505, %add3A_506 : i32
    %add3A_508 = arith.constant 0 : i32
    %add3A_509 = arith.addi %add3A_507, %add3A_508 : i32
    %get3A_510 = arith.index_cast %add3A_509 : i32 to index
    %get3A_511 = tpu.vector_load %arg9[%get3A_510] {strides = array<i32>} : memref<2064xi32, #tpu.memory_space<vmem>>, vector<16xi32>,
    %mul3A_512 = arith.constant 4096 : i32
    %mul3A_513 = arith.muli %select_n3A, %mul3A_512 : i32
    %add3A_514 = vector.broadcast %mul3A_513 : i32 to vector<16xi32>
    %add3A_515 = arith.addi %get3A_511, %add3A_514 : vector<16xi32>
    %swap3A_516 = arith.constant 64 : index
    %swap3A_517 = tpu.vector_load %arg12[%swap3A_516] {strides = array<i32>} : memref<128xi32, #tpu.memory_space<vmem>>, vector<16xi32>,
    tpu.vector_store %arg12[%swap3A_516], %add3A_515 {strides = array<i32>} : memref<128xi32, #tpu.memory_space<vmem>>, vector<16xi32>,
    %add3A_518 = arith.constant 16 : i32
    %add3A_519 = arith.addi %add3A_507, %add3A_518 : i32
    %get3A_520 = arith.index_cast %add3A_519 : i32 to index
    %get3A_521 = tpu.vector_load %arg9[%get3A_520] {strides = array<i32>} : memref<2064xi32, #tpu.memory_space<vmem>>, vector<16xi32>,
    %mul3A_522 = arith.constant 4096 : i32
    %mul3A_523 = arith.muli %select_n3A, %mul3A_522 : i32
    %add3A_524 = vector.broadcast %mul3A_523 : i32 to vector<16xi32>
    %add3A_525 = arith.addi %get3A_521, %add3A_524 : vector<16xi32>
    %swap3A_526 = arith.constant 80 : index
    %swap3A_527 = tpu.vector_load %arg12[%swap3A_526] {strides = array<i32>} : memref<128xi32, #tpu.memory_space<vmem>>, vector<16xi32>,
    tpu.vector_store %arg12[%swap3A_526], %add3A_525 {strides = array<i32>} : memref<128xi32, #tpu.memory_space<vmem>>, vector<16xi32>,
    %add3A_528 = arith.constant 32 : i32
    %add3A_529 = arith.addi %add3A_507, %add3A_528 : i32
    %get3A_530 = arith.index_cast %add3A_529 : i32 to index
    %get3A_531 = tpu.vector_load %arg9[%get3A_530] {strides = array<i32>} : memref<2064xi32, #tpu.memory_space<vmem>>, vector<16xi32>,
    %mul3A_532 = arith.constant 4096 : i32
    %mul3A_533 = arith.muli %select_n3A, %mul3A_532 : i32
    %add3A_534 = vector.broadcast %mul3A_533 : i32 to vector<16xi32>
    %add3A_535 = arith.addi %get3A_531, %add3A_534 : vector<16xi32>
    %swap3A_536 = arith.constant 96 : index
    %swap3A_537 = tpu.vector_load %arg12[%swap3A_536] {strides = array<i32>} : memref<128xi32, #tpu.memory_space<vmem>>, vector<16xi32>,
    tpu.vector_store %arg12[%swap3A_536], %add3A_535 {strides = array<i32>} : memref<128xi32, #tpu.memory_space<vmem>>, vector<16xi32>,
    %add3A_538 = arith.constant 48 : i32
    %add3A_539 = arith.addi %add3A_507, %add3A_538 : i32
    %get3A_540 = arith.index_cast %add3A_539 : i32 to index
    %get3A_541 = tpu.vector_load %arg9[%get3A_540] {strides = array<i32>} : memref<2064xi32, #tpu.memory_space<vmem>>, vector<16xi32>,
    %mul3A_542 = arith.constant 4096 : i32
    %mul3A_543 = arith.muli %select_n3A, %mul3A_542 : i32
    %add3A_544 = vector.broadcast %mul3A_543 : i32 to vector<16xi32>
    %add3A_545 = arith.addi %get3A_541, %add3A_544 : vector<16xi32>
    %swap3A_546 = arith.constant 112 : index
    %swap3A_547 = tpu.vector_load %arg12[%swap3A_546] {strides = array<i32>} : memref<128xi32, #tpu.memory_space<vmem>>, vector<16xi32>,
    tpu.vector_store %arg12[%swap3A_546], %add3A_545 {strides = array<i32>} : memref<128xi32, #tpu.memory_space<vmem>>, vector<16xi32>,
    %dma_start3A_548 = arith.constant 1 : i32
    %dma_start3A_549 = arith.constant 0 : i32
    %dma_start3A_550 = arith.constant 0 : i32
    %dma_start3A_551 = tpu.memref_slice %arg13[%dma_start3A_548, %dma_start3A_549, %dma_start3A_550] : memref<2x64x768xf32, #tpu.memory_space<vmem>> -> memref<1x64x768xf32, #tpu.memory_space<vmem>>
    %dma_start3A_552 = tpu.memref_squeeze %dma_start3A_551 : memref<1x64x768xf32, #tpu.memory_space<vmem>> -> memref<64x768xf32, #tpu.memory_space<vmem>>
    %dma_start3A_553 = arith.constant 64 : i32
    %dma_start3A_554 = tpu.memref_slice %arg12[%dma_start3A_553] : memref<128xi32, #tpu.memory_space<vmem>> -> memref<64xi32, #tpu.memory_space<vmem>>
    %dma_start3A_555 = arith.constant 0 : i32
    %dma_start3A_556 = arith.constant 0 : i32
    %dma_start3A_557 = tpu.memref_slice %arg2[%dma_start3A_555, %dma_start3A_556] : memref<32768x768xf32, #tpu.memory_space<hbm>> -> memref<32768x768xf32, #tpu.memory_space<hbm>>
    tpu.enqueue_indirect_dma source(%dma_start3A_557 : memref<32768x768xf32, #tpu.memory_space<hbm>>) target(%dma_start3A_552 : memref<64x768xf32, #tpu.memory_space<vmem>>) offsets(%dma_start3A_554 : memref<64xi32, #tpu.memory_space<vmem>>) semaphore(%arg14 : memref<!tpu.dma_semaphore, #tpu.memory_space<semaphore_mem>>)
    %mul3A_558 = arith.constant 512 : i32
    %mul3A_559 = arith.muli %select_n3A_30, %mul3A_558 : i32
    %add3A_560 = arith.constant 256 : i32
    %add3A_561 = arith.addi %mul3A_559, %add3A_560 : i32
    %mul3A_562 = arith.constant 2048 : i32
    %mul3A_563 = arith.muli %select_n3A, %mul3A_562 : i32
    %add3A_564 = arith.addi %mul3A_563, %add3A_561 : i32
    %dma_start3A_565 = arith.constant 0 : i32
    %dma_start3A_566 = arith.constant 0 : i32
    %dma_start3A_567 = arith.constant 0 : i32
    %dma_start3A_568 = tpu.memref_slice %arg13[%dma_start3A_565, %dma_start3A_566, %dma_start3A_567] : memref<2x64x768xf32, #tpu.memory_space<vmem>> -> memref<1x64x768xf32, #tpu.memory_space<vmem>>
    %dma_start3A_569 = tpu.memref_squeeze %dma_start3A_568 : memref<1x64x768xf32, #tpu.memory_space<vmem>> -> memref<64x768xf32, #tpu.memory_space<vmem>>
    %dma_start3A_570 = arith.constant 0 : i32
    %dma_start3A_571 = tpu.memref_slice %arg5[%add3A_564, %dma_start3A_570] : memref<16384x768xf32, #tpu.memory_space<hbm>> -> memref<64x768xf32, #tpu.memory_space<hbm>>
    %dma_start3A_572 = arith.constant 0 : i32
    %dma_start3A_573 = tpu.memref_slice %arg5[%add3A_564, %dma_start3A_572] : memref<16384x768xf32, #tpu.memory_space<hbm>> -> memref<64x768xf32, #tpu.memory_space<hbm>>
    %dma_start3A_574 = arith.constant 0 : i32
    %dma_start3A_575 = arith.constant 0 : i32
    %dma_start3A_576 = tpu.memref_slice %arg13[%dma_start3A_565, %dma_start3A_574, %dma_start3A_575] : memref<2x64x768xf32, #tpu.memory_space<vmem>> -> memref<1x64x768xf32, #tpu.memory_space<vmem>>
    %dma_start3A_577 = tpu.memref_squeeze %dma_start3A_576 : memref<1x64x768xf32, #tpu.memory_space<vmem>> -> memref<64x768xf32, #tpu.memory_space<vmem>>
    tpu.enqueue_dma source(%dma_start3A_577 : memref<64x768xf32, #tpu.memory_space<vmem>>) target(%dma_start3A_573 : memref<64x768xf32, #tpu.memory_space<hbm>>) target_semaphore(%arg15 : memref<!tpu.dma_semaphore, #tpu.memory_space<semaphore_mem>>)
    %dma_wait3A_578 = arith.constant 1 : i32
    %dma_wait3A_579 = arith.constant 0 : i32
    %dma_wait3A_580 = arith.constant 0 : i32
    %dma_wait3A_581 = tpu.memref_slice %arg13[%dma_wait3A_578, %dma_wait3A_579, %dma_wait3A_580] : memref<2x64x768xf32, #tpu.memory_space<vmem>> -> memref<1x64x768xf32, #tpu.memory_space<vmem>>
    %dma_wait3A_582 = tpu.memref_squeeze %dma_wait3A_581 : memref<1x64x768xf32, #tpu.memory_space<vmem>> -> memref<64x768xf32, #tpu.memory_space<vmem>>
    %dma_wait3A_583 = arith.constant 64 : i32
    %dma_wait3A_584 = tpu.memref_slice %arg12[%dma_wait3A_583] : memref<128xi32, #tpu.memory_space<vmem>> -> memref<64xi32, #tpu.memory_space<vmem>>
    %dma_wait3A_585 = arith.constant 0 : i32
    %dma_wait3A_586 = arith.constant 0 : i32
    %dma_wait3A_587 = tpu.memref_slice %arg2[%dma_wait3A_585, %dma_wait3A_586] : memref<32768x768xf32, #tpu.memory_space<hbm>> -> memref<32768x768xf32, #tpu.memory_space<hbm>>
    tpu.wait_indirect_dma semaphore(%arg14 : memref<!tpu.dma_semaphore, #tpu.memory_space<semaphore_mem>>) src(%dma_wait3A_587 : memref<32768x768xf32, #tpu.memory_space<hbm>>) dst(%dma_wait3A_582 : memref<64x768xf32, #tpu.memory_space<vmem>>)
    %dma_wait3A_588 = arith.constant 0 : i32
    %dma_wait3A_589 = arith.constant 0 : i32
    %dma_wait3A_590 = arith.constant 0 : i32
    %dma_wait3A_591 = tpu.memref_slice %arg13[%dma_wait3A_588, %dma_wait3A_589, %dma_wait3A_590] : memref<2x64x768xf32, #tpu.memory_space<vmem>> -> memref<1x64x768xf32, #tpu.memory_space<vmem>>
    %dma_wait3A_592 = tpu.memref_squeeze %dma_wait3A_591 : memref<1x64x768xf32, #tpu.memory_space<vmem>> -> memref<64x768xf32, #tpu.memory_space<vmem>>
    %dma_wait3A_593 = arith.constant 0 : i32
    %dma_wait3A_594 = tpu.memref_slice %arg5[%add3A_564, %dma_wait3A_593] : memref<16384x768xf32, #tpu.memory_space<hbm>> -> memref<64x768xf32, #tpu.memory_space<hbm>>
    %dma_wait3A_595 = arith.constant 0 : i32
    %dma_wait3A_596 = tpu.memref_slice %arg5[%add3A_564, %dma_wait3A_595] : memref<16384x768xf32, #tpu.memory_space<hbm>> -> memref<64x768xf32, #tpu.memory_space<hbm>>
    %dma_wait3A_597 = arith.constant 0 : i32
    %dma_wait3A_598 = arith.constant 0 : i32
    %dma_wait3A_599 = tpu.memref_slice %arg13[%dma_wait3A_588, %dma_wait3A_597, %dma_wait3A_598] : memref<2x64x768xf32, #tpu.memory_space<vmem>> -> memref<1x64x768xf32, #tpu.memory_space<vmem>>
    %dma_wait3A_600 = tpu.memref_squeeze %dma_wait3A_599 : memref<1x64x768xf32, #tpu.memory_space<vmem>> -> memref<64x768xf32, #tpu.memory_space<vmem>>
    tpu.wait_dma2 semaphore(%arg15 : memref<!tpu.dma_semaphore, #tpu.memory_space<semaphore_mem>>) src(%dma_wait3A_600 : memref<64x768xf32, #tpu.memory_space<vmem>>) dst(%dma_wait3A_596 : memref<64x768xf32, #tpu.memory_space<hbm>>)
    %mul3A_601 = arith.constant 512 : i32
    %mul3A_602 = arith.muli %select_n3A_30, %mul3A_601 : i32
    %add3A_603 = arith.constant 384 : i32
    %add3A_604 = arith.addi %mul3A_602, %add3A_603 : i32
    %add3A_605 = arith.constant 0 : i32
    %add3A_606 = arith.addi %add3A_604, %add3A_605 : i32
    %get3A_607 = arith.index_cast %add3A_606 : i32 to index
    %get3A_608 = tpu.vector_load %arg9[%get3A_607] {strides = array<i32>} : memref<2064xi32, #tpu.memory_space<vmem>>, vector<16xi32>,
    %mul3A_609 = arith.constant 4096 : i32
    %mul3A_610 = arith.muli %select_n3A, %mul3A_609 : i32
    %add3A_611 = vector.broadcast %mul3A_610 : i32 to vector<16xi32>
    %add3A_612 = arith.addi %get3A_608, %add3A_611 : vector<16xi32>
    %swap3A_613 = arith.constant 0 : index
    %swap3A_614 = tpu.vector_load %arg12[%swap3A_613] {strides = array<i32>} : memref<128xi32, #tpu.memory_space<vmem>>, vector<16xi32>,
    tpu.vector_store %arg12[%swap3A_613], %add3A_612 {strides = array<i32>} : memref<128xi32, #tpu.memory_space<vmem>>, vector<16xi32>,
    %add3A_615 = arith.constant 16 : i32
    %add3A_616 = arith.addi %add3A_604, %add3A_615 : i32
    %get3A_617 = arith.index_cast %add3A_616 : i32 to index
    %get3A_618 = tpu.vector_load %arg9[%get3A_617] {strides = array<i32>} : memref<2064xi32, #tpu.memory_space<vmem>>, vector<16xi32>,
    %mul3A_619 = arith.constant 4096 : i32
    %mul3A_620 = arith.muli %select_n3A, %mul3A_619 : i32
    %add3A_621 = vector.broadcast %mul3A_620 : i32 to vector<16xi32>
    %add3A_622 = arith.addi %get3A_618, %add3A_621 : vector<16xi32>
    %swap3A_623 = arith.constant 16 : index
    %swap3A_624 = tpu.vector_load %arg12[%swap3A_623] {strides = array<i32>} : memref<128xi32, #tpu.memory_space<vmem>>, vector<16xi32>,
    tpu.vector_store %arg12[%swap3A_623], %add3A_622 {strides = array<i32>} : memref<128xi32, #tpu.memory_space<vmem>>, vector<16xi32>,
    %add3A_625 = arith.constant 32 : i32
    %add3A_626 = arith.addi %add3A_604, %add3A_625 : i32
    %get3A_627 = arith.index_cast %add3A_626 : i32 to index
    %get3A_628 = tpu.vector_load %arg9[%get3A_627] {strides = array<i32>} : memref<2064xi32, #tpu.memory_space<vmem>>, vector<16xi32>,
    %mul3A_629 = arith.constant 4096 : i32
    %mul3A_630 = arith.muli %select_n3A, %mul3A_629 : i32
    %add3A_631 = vector.broadcast %mul3A_630 : i32 to vector<16xi32>
    %add3A_632 = arith.addi %get3A_628, %add3A_631 : vector<16xi32>
    %swap3A_633 = arith.constant 32 : index
    %swap3A_634 = tpu.vector_load %arg12[%swap3A_633] {strides = array<i32>} : memref<128xi32, #tpu.memory_space<vmem>>, vector<16xi32>,
    tpu.vector_store %arg12[%swap3A_633], %add3A_632 {strides = array<i32>} : memref<128xi32, #tpu.memory_space<vmem>>, vector<16xi32>,
    %add3A_635 = arith.constant 48 : i32
    %add3A_636 = arith.addi %add3A_604, %add3A_635 : i32
    %get3A_637 = arith.index_cast %add3A_636 : i32 to index
    %get3A_638 = tpu.vector_load %arg9[%get3A_637] {strides = array<i32>} : memref<2064xi32, #tpu.memory_space<vmem>>, vector<16xi32>,
    %mul3A_639 = arith.constant 4096 : i32
    %mul3A_640 = arith.muli %select_n3A, %mul3A_639 : i32
    %add3A_641 = vector.broadcast %mul3A_640 : i32 to vector<16xi32>
    %add3A_642 = arith.addi %get3A_638, %add3A_641 : vector<16xi32>
    %swap3A_643 = arith.constant 48 : index
    %swap3A_644 = tpu.vector_load %arg12[%swap3A_643] {strides = array<i32>} : memref<128xi32, #tpu.memory_space<vmem>>, vector<16xi32>,
    tpu.vector_store %arg12[%swap3A_643], %add3A_642 {strides = array<i32>} : memref<128xi32, #tpu.memory_space<vmem>>, vector<16xi32>,
    %dma_start3A_645 = arith.constant 0 : i32
    %dma_start3A_646 = arith.constant 0 : i32
    %dma_start3A_647 = arith.constant 0 : i32
    %dma_start3A_648 = tpu.memref_slice %arg13[%dma_start3A_645, %dma_start3A_646, %dma_start3A_647] : memref<2x64x768xf32, #tpu.memory_space<vmem>> -> memref<1x64x768xf32, #tpu.memory_space<vmem>>
    %dma_start3A_649 = tpu.memref_squeeze %dma_start3A_648 : memref<1x64x768xf32, #tpu.memory_space<vmem>> -> memref<64x768xf32, #tpu.memory_space<vmem>>
    %dma_start3A_650 = arith.constant 0 : i32
    %dma_start3A_651 = tpu.memref_slice %arg12[%dma_start3A_650] : memref<128xi32, #tpu.memory_space<vmem>> -> memref<64xi32, #tpu.memory_space<vmem>>
    %dma_start3A_652 = arith.constant 0 : i32
    %dma_start3A_653 = arith.constant 0 : i32
    %dma_start3A_654 = tpu.memref_slice %arg2[%dma_start3A_652, %dma_start3A_653] : memref<32768x768xf32, #tpu.memory_space<hbm>> -> memref<32768x768xf32, #tpu.memory_space<hbm>>
    tpu.enqueue_indirect_dma source(%dma_start3A_654 : memref<32768x768xf32, #tpu.memory_space<hbm>>) target(%dma_start3A_649 : memref<64x768xf32, #tpu.memory_space<vmem>>) offsets(%dma_start3A_651 : memref<64xi32, #tpu.memory_space<vmem>>) semaphore(%arg14 : memref<!tpu.dma_semaphore, #tpu.memory_space<semaphore_mem>>)
    %mul3A_655 = arith.constant 512 : i32
    %mul3A_656 = arith.muli %select_n3A_30, %mul3A_655 : i32
    %add3A_657 = arith.constant 320 : i32
    %add3A_658 = arith.addi %mul3A_656, %add3A_657 : i32
    %mul3A_659 = arith.constant 2048 : i32
    %mul3A_660 = arith.muli %select_n3A, %mul3A_659 : i32
    %add3A_661 = arith.addi %mul3A_660, %add3A_658 : i32
    %dma_start3A_662 = arith.constant 1 : i32
    %dma_start3A_663 = arith.constant 0 : i32
    %dma_start3A_664 = arith.constant 0 : i32
    %dma_start3A_665 = tpu.memref_slice %arg13[%dma_start3A_662, %dma_start3A_663, %dma_start3A_664] : memref<2x64x768xf32, #tpu.memory_space<vmem>> -> memref<1x64x768xf32, #tpu.memory_space<vmem>>
    %dma_start3A_666 = tpu.memref_squeeze %dma_start3A_665 : memref<1x64x768xf32, #tpu.memory_space<vmem>> -> memref<64x768xf32, #tpu.memory_space<vmem>>
    %dma_start3A_667 = arith.constant 0 : i32
    %dma_start3A_668 = tpu.memref_slice %arg5[%add3A_661, %dma_start3A_667] : memref<16384x768xf32, #tpu.memory_space<hbm>> -> memref<64x768xf32, #tpu.memory_space<hbm>>
    %dma_start3A_669 = arith.constant 0 : i32
    %dma_start3A_670 = tpu.memref_slice %arg5[%add3A_661, %dma_start3A_669] : memref<16384x768xf32, #tpu.memory_space<hbm>> -> memref<64x768xf32, #tpu.memory_space<hbm>>
    %dma_start3A_671 = arith.constant 0 : i32
    %dma_start3A_672 = arith.constant 0 : i32
    %dma_start3A_673 = tpu.memref_slice %arg13[%dma_start3A_662, %dma_start3A_671, %dma_start3A_672] : memref<2x64x768xf32, #tpu.memory_space<vmem>> -> memref<1x64x768xf32, #tpu.memory_space<vmem>>
    %dma_start3A_674 = tpu.memref_squeeze %dma_start3A_673 : memref<1x64x768xf32, #tpu.memory_space<vmem>> -> memref<64x768xf32, #tpu.memory_space<vmem>>
    tpu.enqueue_dma source(%dma_start3A_674 : memref<64x768xf32, #tpu.memory_space<vmem>>) target(%dma_start3A_670 : memref<64x768xf32, #tpu.memory_space<hbm>>) target_semaphore(%arg16 : memref<!tpu.dma_semaphore, #tpu.memory_space<semaphore_mem>>)
    %dma_wait3A_675 = arith.constant 0 : i32
    %dma_wait3A_676 = arith.constant 0 : i32
    %dma_wait3A_677 = arith.constant 0 : i32
    %dma_wait3A_678 = tpu.memref_slice %arg13[%dma_wait3A_675, %dma_wait3A_676, %dma_wait3A_677] : memref<2x64x768xf32, #tpu.memory_space<vmem>> -> memref<1x64x768xf32, #tpu.memory_space<vmem>>
    %dma_wait3A_679 = tpu.memref_squeeze %dma_wait3A_678 : memref<1x64x768xf32, #tpu.memory_space<vmem>> -> memref<64x768xf32, #tpu.memory_space<vmem>>
    %dma_wait3A_680 = arith.constant 0 : i32
    %dma_wait3A_681 = tpu.memref_slice %arg12[%dma_wait3A_680] : memref<128xi32, #tpu.memory_space<vmem>> -> memref<64xi32, #tpu.memory_space<vmem>>
    %dma_wait3A_682 = arith.constant 0 : i32
    %dma_wait3A_683 = arith.constant 0 : i32
    %dma_wait3A_684 = tpu.memref_slice %arg2[%dma_wait3A_682, %dma_wait3A_683] : memref<32768x768xf32, #tpu.memory_space<hbm>> -> memref<32768x768xf32, #tpu.memory_space<hbm>>
    tpu.wait_indirect_dma semaphore(%arg14 : memref<!tpu.dma_semaphore, #tpu.memory_space<semaphore_mem>>) src(%dma_wait3A_684 : memref<32768x768xf32, #tpu.memory_space<hbm>>) dst(%dma_wait3A_679 : memref<64x768xf32, #tpu.memory_space<vmem>>)
    %dma_wait3A_685 = arith.constant 1 : i32
    %dma_wait3A_686 = arith.constant 0 : i32
    %dma_wait3A_687 = arith.constant 0 : i32
    %dma_wait3A_688 = tpu.memref_slice %arg13[%dma_wait3A_685, %dma_wait3A_686, %dma_wait3A_687] : memref<2x64x768xf32, #tpu.memory_space<vmem>> -> memref<1x64x768xf32, #tpu.memory_space<vmem>>
    %dma_wait3A_689 = tpu.memref_squeeze %dma_wait3A_688 : memref<1x64x768xf32, #tpu.memory_space<vmem>> -> memref<64x768xf32, #tpu.memory_space<vmem>>
    %dma_wait3A_690 = arith.constant 0 : i32
    %dma_wait3A_691 = tpu.memref_slice %arg5[%add3A_661, %dma_wait3A_690] : memref<16384x768xf32, #tpu.memory_space<hbm>> -> memref<64x768xf32, #tpu.memory_space<hbm>>
    %dma_wait3A_692 = arith.constant 0 : i32
    %dma_wait3A_693 = tpu.memref_slice %arg5[%add3A_661, %dma_wait3A_692] : memref<16384x768xf32, #tpu.memory_space<hbm>> -> memref<64x768xf32, #tpu.memory_space<hbm>>
    %dma_wait3A_694 = arith.constant 0 : i32
    %dma_wait3A_695 = arith.constant 0 : i32
    %dma_wait3A_696 = tpu.memref_slice %arg13[%dma_wait3A_685, %dma_wait3A_694, %dma_wait3A_695] : memref<2x64x768xf32, #tpu.memory_space<vmem>> -> memref<1x64x768xf32, #tpu.memory_space<vmem>>
    %dma_wait3A_697 = tpu.memref_squeeze %dma_wait3A_696 : memref<1x64x768xf32, #tpu.memory_space<vmem>> -> memref<64x768xf32, #tpu.memory_space<vmem>>
    tpu.wait_dma2 semaphore(%arg16 : memref<!tpu.dma_semaphore, #tpu.memory_space<semaphore_mem>>) src(%dma_wait3A_697 : memref<64x768xf32, #tpu.memory_space<vmem>>) dst(%dma_wait3A_693 : memref<64x768xf32, #tpu.memory_space<hbm>>)
    %mul3A_698 = arith.constant 512 : i32
    %mul3A_699 = arith.muli %select_n3A_30, %mul3A_698 : i32
    %add3A_700 = arith.constant 448 : i32
    %add3A_701 = arith.addi %mul3A_699, %add3A_700 : i32
    %add3A_702 = arith.constant 0 : i32
    %add3A_703 = arith.addi %add3A_701, %add3A_702 : i32
    %get3A_704 = arith.index_cast %add3A_703 : i32 to index
    %get3A_705 = tpu.vector_load %arg9[%get3A_704] {strides = array<i32>} : memref<2064xi32, #tpu.memory_space<vmem>>, vector<16xi32>,
    %mul3A_706 = arith.constant 4096 : i32
    %mul3A_707 = arith.muli %select_n3A, %mul3A_706 : i32
    %add3A_708 = vector.broadcast %mul3A_707 : i32 to vector<16xi32>
    %add3A_709 = arith.addi %get3A_705, %add3A_708 : vector<16xi32>
    %swap3A_710 = arith.constant 64 : index
    %swap3A_711 = tpu.vector_load %arg12[%swap3A_710] {strides = array<i32>} : memref<128xi32, #tpu.memory_space<vmem>>, vector<16xi32>,
    tpu.vector_store %arg12[%swap3A_710], %add3A_709 {strides = array<i32>} : memref<128xi32, #tpu.memory_space<vmem>>, vector<16xi32>,
    %add3A_712 = arith.constant 16 : i32
    %add3A_713 = arith.addi %add3A_701, %add3A_712 : i32
    %get3A_714 = arith.index_cast %add3A_713 : i32 to index
    %get3A_715 = tpu.vector_load %arg9[%get3A_714] {strides = array<i32>} : memref<2064xi32, #tpu.memory_space<vmem>>, vector<16xi32>,
    %mul3A_716 = arith.constant 4096 : i32
    %mul3A_717 = arith.muli %select_n3A, %mul3A_716 : i32
    %add3A_718 = vector.broadcast %mul3A_717 : i32 to vector<16xi32>
    %add3A_719 = arith.addi %get3A_715, %add3A_718 : vector<16xi32>
    %swap3A_720 = arith.constant 80 : index
    %swap3A_721 = tpu.vector_load %arg12[%swap3A_720] {strides = array<i32>} : memref<128xi32, #tpu.memory_space<vmem>>, vector<16xi32>,
    tpu.vector_store %arg12[%swap3A_720], %add3A_719 {strides = array<i32>} : memref<128xi32, #tpu.memory_space<vmem>>, vector<16xi32>,
    %add3A_722 = arith.constant 32 : i32
    %add3A_723 = arith.addi %add3A_701, %add3A_722 : i32
    %get3A_724 = arith.index_cast %add3A_723 : i32 to index
    %get3A_725 = tpu.vector_load %arg9[%get3A_724] {strides = array<i32>} : memref<2064xi32, #tpu.memory_space<vmem>>, vector<16xi32>,
    %mul3A_726 = arith.constant 4096 : i32
    %mul3A_727 = arith.muli %select_n3A, %mul3A_726 : i32
    %add3A_728 = vector.broadcast %mul3A_727 : i32 to vector<16xi32>
    %add3A_729 = arith.addi %get3A_725, %add3A_728 : vector<16xi32>
    %swap3A_730 = arith.constant 96 : index
    %swap3A_731 = tpu.vector_load %arg12[%swap3A_730] {strides = array<i32>} : memref<128xi32, #tpu.memory_space<vmem>>, vector<16xi32>,
    tpu.vector_store %arg12[%swap3A_730], %add3A_729 {strides = array<i32>} : memref<128xi32, #tpu.memory_space<vmem>>, vector<16xi32>,
    %add3A_732 = arith.constant 48 : i32
    %add3A_733 = arith.addi %add3A_701, %add3A_732 : i32
    %get3A_734 = arith.index_cast %add3A_733 : i32 to index
    %get3A_735 = tpu.vector_load %arg9[%get3A_734] {strides = array<i32>} : memref<2064xi32, #tpu.memory_space<vmem>>, vector<16xi32>,
    %mul3A_736 = arith.constant 4096 : i32
    %mul3A_737 = arith.muli %select_n3A, %mul3A_736 : i32
    %add3A_738 = vector.broadcast %mul3A_737 : i32 to vector<16xi32>
    %add3A_739 = arith.addi %get3A_735, %add3A_738 : vector<16xi32>
    %swap3A_740 = arith.constant 112 : index
    %swap3A_741 = tpu.vector_load %arg12[%swap3A_740] {strides = array<i32>} : memref<128xi32, #tpu.memory_space<vmem>>, vector<16xi32>,
    tpu.vector_store %arg12[%swap3A_740], %add3A_739 {strides = array<i32>} : memref<128xi32, #tpu.memory_space<vmem>>, vector<16xi32>,
    %dma_start3A_742 = arith.constant 1 : i32
    %dma_start3A_743 = arith.constant 0 : i32
    %dma_start3A_744 = arith.constant 0 : i32
    %dma_start3A_745 = tpu.memref_slice %arg13[%dma_start3A_742, %dma_start3A_743, %dma_start3A_744] : memref<2x64x768xf32, #tpu.memory_space<vmem>> -> memref<1x64x768xf32, #tpu.memory_space<vmem>>
    %dma_start3A_746 = tpu.memref_squeeze %dma_start3A_745 : memref<1x64x768xf32, #tpu.memory_space<vmem>> -> memref<64x768xf32, #tpu.memory_space<vmem>>
    %dma_start3A_747 = arith.constant 64 : i32
    %dma_start3A_748 = tpu.memref_slice %arg12[%dma_start3A_747] : memref<128xi32, #tpu.memory_space<vmem>> -> memref<64xi32, #tpu.memory_space<vmem>>
    %dma_start3A_749 = arith.constant 0 : i32
    %dma_start3A_750 = arith.constant 0 : i32
    %dma_start3A_751 = tpu.memref_slice %arg2[%dma_start3A_749, %dma_start3A_750] : memref<32768x768xf32, #tpu.memory_space<hbm>> -> memref<32768x768xf32, #tpu.memory_space<hbm>>
    tpu.enqueue_indirect_dma source(%dma_start3A_751 : memref<32768x768xf32, #tpu.memory_space<hbm>>) target(%dma_start3A_746 : memref<64x768xf32, #tpu.memory_space<vmem>>) offsets(%dma_start3A_748 : memref<64xi32, #tpu.memory_space<vmem>>) semaphore(%arg14 : memref<!tpu.dma_semaphore, #tpu.memory_space<semaphore_mem>>)
    %mul3A_752 = arith.constant 512 : i32
    %mul3A_753 = arith.muli %select_n3A_30, %mul3A_752 : i32
    %add3A_754 = arith.constant 384 : i32
    %add3A_755 = arith.addi %mul3A_753, %add3A_754 : i32
    %mul3A_756 = arith.constant 2048 : i32
    %mul3A_757 = arith.muli %select_n3A, %mul3A_756 : i32
    %add3A_758 = arith.addi %mul3A_757, %add3A_755 : i32
    %dma_start3A_759 = arith.constant 0 : i32
    %dma_start3A_760 = arith.constant 0 : i32
    %dma_start3A_761 = arith.constant 0 : i32
    %dma_start3A_762 = tpu.memref_slice %arg13[%dma_start3A_759, %dma_start3A_760, %dma_start3A_761] : memref<2x64x768xf32, #tpu.memory_space<vmem>> -> memref<1x64x768xf32, #tpu.memory_space<vmem>>
    %dma_start3A_763 = tpu.memref_squeeze %dma_start3A_762 : memref<1x64x768xf32, #tpu.memory_space<vmem>> -> memref<64x768xf32, #tpu.memory_space<vmem>>
    %dma_start3A_764 = arith.constant 0 : i32
    %dma_start3A_765 = tpu.memref_slice %arg5[%add3A_758, %dma_start3A_764] : memref<16384x768xf32, #tpu.memory_space<hbm>> -> memref<64x768xf32, #tpu.memory_space<hbm>>
    %dma_start3A_766 = arith.constant 0 : i32
    %dma_start3A_767 = tpu.memref_slice %arg5[%add3A_758, %dma_start3A_766] : memref<16384x768xf32, #tpu.memory_space<hbm>> -> memref<64x768xf32, #tpu.memory_space<hbm>>
    %dma_start3A_768 = arith.constant 0 : i32
    %dma_start3A_769 = arith.constant 0 : i32
    %dma_start3A_770 = tpu.memref_slice %arg13[%dma_start3A_759, %dma_start3A_768, %dma_start3A_769] : memref<2x64x768xf32, #tpu.memory_space<vmem>> -> memref<1x64x768xf32, #tpu.memory_space<vmem>>
    %dma_start3A_771 = tpu.memref_squeeze %dma_start3A_770 : memref<1x64x768xf32, #tpu.memory_space<vmem>> -> memref<64x768xf32, #tpu.memory_space<vmem>>
    tpu.enqueue_dma source(%dma_start3A_771 : memref<64x768xf32, #tpu.memory_space<vmem>>) target(%dma_start3A_767 : memref<64x768xf32, #tpu.memory_space<hbm>>) target_semaphore(%arg15 : memref<!tpu.dma_semaphore, #tpu.memory_space<semaphore_mem>>)
    %dma_wait3A_772 = arith.constant 1 : i32
    %dma_wait3A_773 = arith.constant 0 : i32
    %dma_wait3A_774 = arith.constant 0 : i32
    %dma_wait3A_775 = tpu.memref_slice %arg13[%dma_wait3A_772, %dma_wait3A_773, %dma_wait3A_774] : memref<2x64x768xf32, #tpu.memory_space<vmem>> -> memref<1x64x768xf32, #tpu.memory_space<vmem>>
    %dma_wait3A_776 = tpu.memref_squeeze %dma_wait3A_775 : memref<1x64x768xf32, #tpu.memory_space<vmem>> -> memref<64x768xf32, #tpu.memory_space<vmem>>
    %dma_wait3A_777 = arith.constant 64 : i32
    %dma_wait3A_778 = tpu.memref_slice %arg12[%dma_wait3A_777] : memref<128xi32, #tpu.memory_space<vmem>> -> memref<64xi32, #tpu.memory_space<vmem>>
    %dma_wait3A_779 = arith.constant 0 : i32
    %dma_wait3A_780 = arith.constant 0 : i32
    %dma_wait3A_781 = tpu.memref_slice %arg2[%dma_wait3A_779, %dma_wait3A_780] : memref<32768x768xf32, #tpu.memory_space<hbm>> -> memref<32768x768xf32, #tpu.memory_space<hbm>>
    tpu.wait_indirect_dma semaphore(%arg14 : memref<!tpu.dma_semaphore, #tpu.memory_space<semaphore_mem>>) src(%dma_wait3A_781 : memref<32768x768xf32, #tpu.memory_space<hbm>>) dst(%dma_wait3A_776 : memref<64x768xf32, #tpu.memory_space<vmem>>)
    %mul3A_782 = arith.constant 512 : i32
    %mul3A_783 = arith.muli %select_n3A_30, %mul3A_782 : i32
    %add3A_784 = arith.constant 448 : i32
    %add3A_785 = arith.addi %mul3A_783, %add3A_784 : i32
    %mul3A_786 = arith.constant 2048 : i32
    %mul3A_787 = arith.muli %select_n3A, %mul3A_786 : i32
    %add3A_788 = arith.addi %mul3A_787, %add3A_785 : i32
    %dma_start3A_789 = arith.constant 1 : i32
    %dma_start3A_790 = arith.constant 0 : i32
    %dma_start3A_791 = arith.constant 0 : i32
    %dma_start3A_792 = tpu.memref_slice %arg13[%dma_start3A_789, %dma_start3A_790, %dma_start3A_791] : memref<2x64x768xf32, #tpu.memory_space<vmem>> -> memref<1x64x768xf32, #tpu.memory_space<vmem>>
    %dma_start3A_793 = tpu.memref_squeeze %dma_start3A_792 : memref<1x64x768xf32, #tpu.memory_space<vmem>> -> memref<64x768xf32, #tpu.memory_space<vmem>>
    %dma_start3A_794 = arith.constant 0 : i32
    %dma_start3A_795 = tpu.memref_slice %arg5[%add3A_788, %dma_start3A_794] : memref<16384x768xf32, #tpu.memory_space<hbm>> -> memref<64x768xf32, #tpu.memory_space<hbm>>
    %dma_start3A_796 = arith.constant 0 : i32
    %dma_start3A_797 = tpu.memref_slice %arg5[%add3A_788, %dma_start3A_796] : memref<16384x768xf32, #tpu.memory_space<hbm>> -> memref<64x768xf32, #tpu.memory_space<hbm>>
    %dma_start3A_798 = arith.constant 0 : i32
    %dma_start3A_799 = arith.constant 0 : i32
    %dma_start3A_800 = tpu.memref_slice %arg13[%dma_start3A_789, %dma_start3A_798, %dma_start3A_799] : memref<2x64x768xf32, #tpu.memory_space<vmem>> -> memref<1x64x768xf32, #tpu.memory_space<vmem>>
    %dma_start3A_801 = tpu.memref_squeeze %dma_start3A_800 : memref<1x64x768xf32, #tpu.memory_space<vmem>> -> memref<64x768xf32, #tpu.memory_space<vmem>>
    tpu.enqueue_dma source(%dma_start3A_801 : memref<64x768xf32, #tpu.memory_space<vmem>>) target(%dma_start3A_797 : memref<64x768xf32, #tpu.memory_space<hbm>>) target_semaphore(%arg16 : memref<!tpu.dma_semaphore, #tpu.memory_space<semaphore_mem>>)
    %dma_wait3A_802 = arith.constant 0 : i32
    %dma_wait3A_803 = arith.constant 0 : i32
    %dma_wait3A_804 = arith.constant 0 : i32
    %dma_wait3A_805 = tpu.memref_slice %arg13[%dma_wait3A_802, %dma_wait3A_803, %dma_wait3A_804] : memref<2x64x768xf32, #tpu.memory_space<vmem>> -> memref<1x64x768xf32, #tpu.memory_space<vmem>>
    %dma_wait3A_806 = tpu.memref_squeeze %dma_wait3A_805 : memref<1x64x768xf32, #tpu.memory_space<vmem>> -> memref<64x768xf32, #tpu.memory_space<vmem>>
    %dma_wait3A_807 = arith.constant 0 : i32
    %dma_wait3A_808 = tpu.memref_slice %arg5[%add3A_758, %dma_wait3A_807] : memref<16384x768xf32, #tpu.memory_space<hbm>> -> memref<64x768xf32, #tpu.memory_space<hbm>>
    %dma_wait3A_809 = arith.constant 0 : i32
    %dma_wait3A_810 = tpu.memref_slice %arg5[%add3A_758, %dma_wait3A_809] : memref<16384x768xf32, #tpu.memory_space<hbm>> -> memref<64x768xf32, #tpu.memory_space<hbm>>
    %dma_wait3A_811 = arith.constant 0 : i32
    %dma_wait3A_812 = arith.constant 0 : i32
    %dma_wait3A_813 = tpu.memref_slice %arg13[%dma_wait3A_802, %dma_wait3A_811, %dma_wait3A_812] : memref<2x64x768xf32, #tpu.memory_space<vmem>> -> memref<1x64x768xf32, #tpu.memory_space<vmem>>
    %dma_wait3A_814 = tpu.memref_squeeze %dma_wait3A_813 : memref<1x64x768xf32, #tpu.memory_space<vmem>> -> memref<64x768xf32, #tpu.memory_space<vmem>>
    tpu.wait_dma2 semaphore(%arg15 : memref<!tpu.dma_semaphore, #tpu.memory_space<semaphore_mem>>) src(%dma_wait3A_814 : memref<64x768xf32, #tpu.memory_space<vmem>>) dst(%dma_wait3A_810 : memref<64x768xf32, #tpu.memory_space<hbm>>)
    %dma_wait3A_815 = arith.constant 1 : i32
    %dma_wait3A_816 = arith.constant 0 : i32
    %dma_wait3A_817 = arith.constant 0 : i32
    %dma_wait3A_818 = tpu.memref_slice %arg13[%dma_wait3A_815, %dma_wait3A_816, %dma_wait3A_817] : memref<2x64x768xf32, #tpu.memory_space<vmem>> -> memref<1x64x768xf32, #tpu.memory_space<vmem>>
    %dma_wait3A_819 = tpu.memref_squeeze %dma_wait3A_818 : memref<1x64x768xf32, #tpu.memory_space<vmem>> -> memref<64x768xf32, #tpu.memory_space<vmem>>
    %dma_wait3A_820 = arith.constant 0 : i32
    %dma_wait3A_821 = tpu.memref_slice %arg5[%add3A_788, %dma_wait3A_820] : memref<16384x768xf32, #tpu.memory_space<hbm>> -> memref<64x768xf32, #tpu.memory_space<hbm>>
    %dma_wait3A_822 = arith.constant 0 : i32
    %dma_wait3A_823 = tpu.memref_slice %arg5[%add3A_788, %dma_wait3A_822] : memref<16384x768xf32, #tpu.memory_space<hbm>> -> memref<64x768xf32, #tpu.memory_space<hbm>>
    %dma_wait3A_824 = arith.constant 0 : i32
    %dma_wait3A_825 = arith.constant 0 : i32
    %dma_wait3A_826 = tpu.memref_slice %arg13[%dma_wait3A_815, %dma_wait3A_824, %dma_wait3A_825] : memref<2x64x768xf32, #tpu.memory_space<vmem>> -> memref<1x64x768xf32, #tpu.memory_space<vmem>>
    %dma_wait3A_827 = tpu.memref_squeeze %dma_wait3A_826 : memref<1x64x768xf32, #tpu.memory_space<vmem>> -> memref<64x768xf32, #tpu.memory_space<vmem>>
    tpu.wait_dma2 semaphore(%arg16 : memref<!tpu.dma_semaphore, #tpu.memory_space<semaphore_mem>>) src(%dma_wait3A_827 : memref<64x768xf32, #tpu.memory_space<vmem>>) dst(%dma_wait3A_823 : memref<64x768xf32, #tpu.memory_space<hbm>>)
    return
  }
}

module attributes {stable_mosaic.version = 14 : i64} {
  func.func @_mt_body(%arg0: i32, %arg1: i32, %arg2: memref<1x8x32x64x96xf32, #tpu.memory_space<vmem>>, %arg3: memref<1x2048x768xf32, #tpu.memory_space<vmem>>, %arg4: memref<1x96x2048xf32, #tpu.memory_space<vmem>>) attributes {dimension_semantics = [#tpu.dimension_semantics<arbitrary>, #tpu.dimension_semantics<arbitrary>], iteration_bounds = array<i64: 8, 2>, scalar_prefetch = 0 : i64, scratch_operands = 0 : i64, tpu.core_type = #tpu.core_type<tc>, window_params = [{transform_indices = @transform_0, window_bounds = array<i64: 1, 8, 32, 64, 96>}, {transform_indices = @transform_1, window_bounds = array<i64: 1, 2048, 768>}, {transform_indices = @transform_2, window_bounds = array<i64: 1, 96, 2048>}]} {
    %get3A = arith.constant 0 : index
    %get3A_0 = arith.constant 0 : index
    %get3A_1 = arith.constant 0 : index
    %get3A_2 = arith.constant 0 : index
    %get3A_3 = arith.constant 0 : index
    %get3A_4 = vector.load %arg2[%get3A, %get3A_0, %get3A_1, %get3A_2, %get3A_3] : memref<1x8x32x64x96xf32, #tpu.memory_space<vmem>>, vector<1x8x32x64x96xf32>
    %get3A_5 = vector.shape_cast %get3A_4 : vector<1x8x32x64x96xf32> to vector<8x32x64x96xf32>
    %reshape3A = vector.shape_cast %get3A_5 : vector<8x32x64x96xf32> to vector<8x2048x96xf32>
    %slice3A = vector.extract_strided_slice %reshape3A {offsets = [0, 0, 0], sizes = [1, 2048, 96], strides = [1, 1, 1]} : vector<8x2048x96xf32> to vector<1x2048x96xf32>
    %squeeze3A = vector.shape_cast %slice3A : vector<1x2048x96xf32> to vector<2048x96xf32>
    %slice3A_6 = vector.extract_strided_slice %reshape3A {offsets = [1, 0, 0], sizes = [1, 2048, 96], strides = [1, 1, 1]} : vector<8x2048x96xf32> to vector<1x2048x96xf32>
    %squeeze3A_7 = vector.shape_cast %slice3A_6 : vector<1x2048x96xf32> to vector<2048x96xf32>
    %add3A = arith.addf %squeeze3A, %squeeze3A_7 : vector<2048x96xf32>
    %slice3A_8 = vector.extract_strided_slice %reshape3A {offsets = [2, 0, 0], sizes = [1, 2048, 96], strides = [1, 1, 1]} : vector<8x2048x96xf32> to vector<1x2048x96xf32>
    %squeeze3A_9 = vector.shape_cast %slice3A_8 : vector<1x2048x96xf32> to vector<2048x96xf32>
    %add3A_10 = arith.addf %add3A, %squeeze3A_9 : vector<2048x96xf32>
    %slice3A_11 = vector.extract_strided_slice %reshape3A {offsets = [3, 0, 0], sizes = [1, 2048, 96], strides = [1, 1, 1]} : vector<8x2048x96xf32> to vector<1x2048x96xf32>
    %squeeze3A_12 = vector.shape_cast %slice3A_11 : vector<1x2048x96xf32> to vector<2048x96xf32>
    %add3A_13 = arith.addf %add3A_10, %squeeze3A_12 : vector<2048x96xf32>
    %slice3A_14 = vector.extract_strided_slice %reshape3A {offsets = [4, 0, 0], sizes = [1, 2048, 96], strides = [1, 1, 1]} : vector<8x2048x96xf32> to vector<1x2048x96xf32>
    %squeeze3A_15 = vector.shape_cast %slice3A_14 : vector<1x2048x96xf32> to vector<2048x96xf32>
    %add3A_16 = arith.addf %add3A_13, %squeeze3A_15 : vector<2048x96xf32>
    %slice3A_17 = vector.extract_strided_slice %reshape3A {offsets = [5, 0, 0], sizes = [1, 2048, 96], strides = [1, 1, 1]} : vector<8x2048x96xf32> to vector<1x2048x96xf32>
    %squeeze3A_18 = vector.shape_cast %slice3A_17 : vector<1x2048x96xf32> to vector<2048x96xf32>
    %add3A_19 = arith.addf %add3A_16, %squeeze3A_18 : vector<2048x96xf32>
    %slice3A_20 = vector.extract_strided_slice %reshape3A {offsets = [6, 0, 0], sizes = [1, 2048, 96], strides = [1, 1, 1]} : vector<8x2048x96xf32> to vector<1x2048x96xf32>
    %squeeze3A_21 = vector.shape_cast %slice3A_20 : vector<1x2048x96xf32> to vector<2048x96xf32>
    %add3A_22 = arith.addf %add3A_19, %squeeze3A_21 : vector<2048x96xf32>
    %slice3A_23 = vector.extract_strided_slice %reshape3A {offsets = [7, 0, 0], sizes = [1, 2048, 96], strides = [1, 1, 1]} : vector<8x2048x96xf32> to vector<1x2048x96xf32>
    %squeeze3A_24 = vector.shape_cast %slice3A_23 : vector<1x2048x96xf32> to vector<2048x96xf32>
    %add3A_25 = arith.addf %add3A_22, %squeeze3A_24 : vector<2048x96xf32>
    %mul3A = arith.constant 1.250000e-01 : f32
    %mul3A_26 = vector.broadcast %mul3A : f32 to vector<2048x96xf32>
    %mul3A_27 = arith.mulf %add3A_25, %mul3A_26 : vector<2048x96xf32>
    %transpose3A = tpu.transpose %mul3A_27, [1, 0] : vector<2048x96xf32> -> vector<96x2048xf32>
    %swap3A = arith.constant 0 : index
    %swap3A_28 = arith.constant 0 : index
    %swap3A_29 = arith.constant 0 : index
    %swap3A_30 = vector.load %arg4[%swap3A, %swap3A_28, %swap3A_29] : memref<1x96x2048xf32, #tpu.memory_space<vmem>>, vector<1x96x2048xf32>
    %swap3A_31 = vector.shape_cast %swap3A_30 : vector<1x96x2048xf32> to vector<96x2048xf32>
    %swap3A_32 = vector.shape_cast %transpose3A : vector<96x2048xf32> to vector<1x96x2048xf32>
    tpu.vector_store %arg4[%swap3A, %swap3A_28, %swap3A_29], %swap3A_32 {strides = array<i32>} : memref<1x96x2048xf32, #tpu.memory_space<vmem>>, vector<1x96x2048xf32>,
    %slice3A_33 = vector.extract_strided_slice %reshape3A {offsets = [0, 0, 0], sizes = [1, 2048, 96], strides = [1, 1, 1]} : vector<8x2048x96xf32> to vector<1x2048x96xf32>
    %squeeze3A_34 = vector.shape_cast %slice3A_33 : vector<1x2048x96xf32> to vector<2048x96xf32>
    %swap3A_35 = arith.constant 0 : index
    %swap3A_36 = arith.constant 0 : index
    %swap3A_37 = arith.constant 0 : index
    %swap3A_38 = vector.load %arg3[%swap3A_35, %swap3A_36, %swap3A_37] : memref<1x2048x768xf32, #tpu.memory_space<vmem>>, vector<1x2048x96xf32>
    %swap3A_39 = vector.shape_cast %swap3A_38 : vector<1x2048x96xf32> to vector<2048x96xf32>
    %swap3A_40 = vector.shape_cast %squeeze3A_34 : vector<2048x96xf32> to vector<1x2048x96xf32>
    tpu.vector_store %arg3[%swap3A_35, %swap3A_36, %swap3A_37], %swap3A_40 {strides = array<i32>} : memref<1x2048x768xf32, #tpu.memory_space<vmem>>, vector<1x2048x96xf32>,
    %slice3A_41 = vector.extract_strided_slice %reshape3A {offsets = [1, 0, 0], sizes = [1, 2048, 96], strides = [1, 1, 1]} : vector<8x2048x96xf32> to vector<1x2048x96xf32>
    %squeeze3A_42 = vector.shape_cast %slice3A_41 : vector<1x2048x96xf32> to vector<2048x96xf32>
    %swap3A_43 = arith.constant 0 : index
    %swap3A_44 = arith.constant 0 : index
    %swap3A_45 = arith.constant 96 : index
    %swap3A_46 = vector.load %arg3[%swap3A_43, %swap3A_44, %swap3A_45] : memref<1x2048x768xf32, #tpu.memory_space<vmem>>, vector<1x2048x96xf32>
    %swap3A_47 = vector.shape_cast %swap3A_46 : vector<1x2048x96xf32> to vector<2048x96xf32>
    %swap3A_48 = vector.shape_cast %squeeze3A_42 : vector<2048x96xf32> to vector<1x2048x96xf32>
    tpu.vector_store %arg3[%swap3A_43, %swap3A_44, %swap3A_45], %swap3A_48 {strides = array<i32>} : memref<1x2048x768xf32, #tpu.memory_space<vmem>>, vector<1x2048x96xf32>,
    %slice3A_49 = vector.extract_strided_slice %reshape3A {offsets = [2, 0, 0], sizes = [1, 2048, 96], strides = [1, 1, 1]} : vector<8x2048x96xf32> to vector<1x2048x96xf32>
    %squeeze3A_50 = vector.shape_cast %slice3A_49 : vector<1x2048x96xf32> to vector<2048x96xf32>
    %swap3A_51 = arith.constant 0 : index
    %swap3A_52 = arith.constant 0 : index
    %swap3A_53 = arith.constant 192 : index
    %swap3A_54 = vector.load %arg3[%swap3A_51, %swap3A_52, %swap3A_53] : memref<1x2048x768xf32, #tpu.memory_space<vmem>>, vector<1x2048x96xf32>
    %swap3A_55 = vector.shape_cast %swap3A_54 : vector<1x2048x96xf32> to vector<2048x96xf32>
    %swap3A_56 = vector.shape_cast %squeeze3A_50 : vector<2048x96xf32> to vector<1x2048x96xf32>
    tpu.vector_store %arg3[%swap3A_51, %swap3A_52, %swap3A_53], %swap3A_56 {strides = array<i32>} : memref<1x2048x768xf32, #tpu.memory_space<vmem>>, vector<1x2048x96xf32>,
    %slice3A_57 = vector.extract_strided_slice %reshape3A {offsets = [3, 0, 0], sizes = [1, 2048, 96], strides = [1, 1, 1]} : vector<8x2048x96xf32> to vector<1x2048x96xf32>
    %squeeze3A_58 = vector.shape_cast %slice3A_57 : vector<1x2048x96xf32> to vector<2048x96xf32>
    %swap3A_59 = arith.constant 0 : index
    %swap3A_60 = arith.constant 0 : index
    %swap3A_61 = arith.constant 288 : index
    %swap3A_62 = vector.load %arg3[%swap3A_59, %swap3A_60, %swap3A_61] : memref<1x2048x768xf32, #tpu.memory_space<vmem>>, vector<1x2048x96xf32>
    %swap3A_63 = vector.shape_cast %swap3A_62 : vector<1x2048x96xf32> to vector<2048x96xf32>
    %swap3A_64 = vector.shape_cast %squeeze3A_58 : vector<2048x96xf32> to vector<1x2048x96xf32>
    tpu.vector_store %arg3[%swap3A_59, %swap3A_60, %swap3A_61], %swap3A_64 {strides = array<i32>} : memref<1x2048x768xf32, #tpu.memory_space<vmem>>, vector<1x2048x96xf32>,
    %slice3A_65 = vector.extract_strided_slice %reshape3A {offsets = [4, 0, 0], sizes = [1, 2048, 96], strides = [1, 1, 1]} : vector<8x2048x96xf32> to vector<1x2048x96xf32>
    %squeeze3A_66 = vector.shape_cast %slice3A_65 : vector<1x2048x96xf32> to vector<2048x96xf32>
    %swap3A_67 = arith.constant 0 : index
    %swap3A_68 = arith.constant 0 : index
    %swap3A_69 = arith.constant 384 : index
    %swap3A_70 = vector.load %arg3[%swap3A_67, %swap3A_68, %swap3A_69] : memref<1x2048x768xf32, #tpu.memory_space<vmem>>, vector<1x2048x96xf32>
    %swap3A_71 = vector.shape_cast %swap3A_70 : vector<1x2048x96xf32> to vector<2048x96xf32>
    %swap3A_72 = vector.shape_cast %squeeze3A_66 : vector<2048x96xf32> to vector<1x2048x96xf32>
    tpu.vector_store %arg3[%swap3A_67, %swap3A_68, %swap3A_69], %swap3A_72 {strides = array<i32>} : memref<1x2048x768xf32, #tpu.memory_space<vmem>>, vector<1x2048x96xf32>,
    %slice3A_73 = vector.extract_strided_slice %reshape3A {offsets = [5, 0, 0], sizes = [1, 2048, 96], strides = [1, 1, 1]} : vector<8x2048x96xf32> to vector<1x2048x96xf32>
    %squeeze3A_74 = vector.shape_cast %slice3A_73 : vector<1x2048x96xf32> to vector<2048x96xf32>
    %swap3A_75 = arith.constant 0 : index
    %swap3A_76 = arith.constant 0 : index
    %swap3A_77 = arith.constant 480 : index
    %swap3A_78 = vector.load %arg3[%swap3A_75, %swap3A_76, %swap3A_77] : memref<1x2048x768xf32, #tpu.memory_space<vmem>>, vector<1x2048x96xf32>
    %swap3A_79 = vector.shape_cast %swap3A_78 : vector<1x2048x96xf32> to vector<2048x96xf32>
    %swap3A_80 = vector.shape_cast %squeeze3A_74 : vector<2048x96xf32> to vector<1x2048x96xf32>
    tpu.vector_store %arg3[%swap3A_75, %swap3A_76, %swap3A_77], %swap3A_80 {strides = array<i32>} : memref<1x2048x768xf32, #tpu.memory_space<vmem>>, vector<1x2048x96xf32>,
    %slice3A_81 = vector.extract_strided_slice %reshape3A {offsets = [6, 0, 0], sizes = [1, 2048, 96], strides = [1, 1, 1]} : vector<8x2048x96xf32> to vector<1x2048x96xf32>
    %squeeze3A_82 = vector.shape_cast %slice3A_81 : vector<1x2048x96xf32> to vector<2048x96xf32>
    %swap3A_83 = arith.constant 0 : index
    %swap3A_84 = arith.constant 0 : index
    %swap3A_85 = arith.constant 576 : index
    %swap3A_86 = vector.load %arg3[%swap3A_83, %swap3A_84, %swap3A_85] : memref<1x2048x768xf32, #tpu.memory_space<vmem>>, vector<1x2048x96xf32>
    %swap3A_87 = vector.shape_cast %swap3A_86 : vector<1x2048x96xf32> to vector<2048x96xf32>
    %swap3A_88 = vector.shape_cast %squeeze3A_82 : vector<2048x96xf32> to vector<1x2048x96xf32>
    tpu.vector_store %arg3[%swap3A_83, %swap3A_84, %swap3A_85], %swap3A_88 {strides = array<i32>} : memref<1x2048x768xf32, #tpu.memory_space<vmem>>, vector<1x2048x96xf32>,
    %slice3A_89 = vector.extract_strided_slice %reshape3A {offsets = [7, 0, 0], sizes = [1, 2048, 96], strides = [1, 1, 1]} : vector<8x2048x96xf32> to vector<1x2048x96xf32>
    %squeeze3A_90 = vector.shape_cast %slice3A_89 : vector<1x2048x96xf32> to vector<2048x96xf32>
    %swap3A_91 = arith.constant 0 : index
    %swap3A_92 = arith.constant 0 : index
    %swap3A_93 = arith.constant 672 : index
    %swap3A_94 = vector.load %arg3[%swap3A_91, %swap3A_92, %swap3A_93] : memref<1x2048x768xf32, #tpu.memory_space<vmem>>, vector<1x2048x96xf32>
    %swap3A_95 = vector.shape_cast %swap3A_94 : vector<1x2048x96xf32> to vector<2048x96xf32>
    %swap3A_96 = vector.shape_cast %squeeze3A_90 : vector<2048x96xf32> to vector<1x2048x96xf32>
    tpu.vector_store %arg3[%swap3A_91, %swap3A_92, %swap3A_93], %swap3A_96 {strides = array<i32>} : memref<1x2048x768xf32, #tpu.memory_space<vmem>>, vector<1x2048x96xf32>,
    return
  }
  func.func @transform_0(%arg0: i32, %arg1: i32) -> (i32, i32, i32, i32, i32) {
    %c0_i32 = arith.constant 0 : i32
    %c0_i32_0 = arith.constant 0 : i32
    %c0_i32_1 = arith.constant 0 : i32
    %c0_i32_2 = arith.constant 0 : i32
    return %arg0, %c0_i32, %arg1, %c0_i32_0, %c0_i32_1 : i32, i32, i32, i32, i32
  }
  func.func @transform_1(%arg0: i32, %arg1: i32) -> (i32, i32, i32) {
    %c0_i32 = arith.constant 0 : i32
    %c0_i32_0 = arith.constant 0 : i32
    return %arg0, %arg1, %c0_i32 : i32, i32, i32
  }
  func.func @transform_2(%arg0: i32, %arg1: i32) -> (i32, i32, i32) {
    %c0_i32 = arith.constant 0 : i32
    %c0_i32_0 = arith.constant 0 : i32
    return %arg0, %c0_i32, %arg1 : i32, i32, i32
  }
}

module attributes {stable_mosaic.version = 14 : i64} {
  func.func @_tk_body(%arg0: memref<8x4096xf32, #tpu.memory_space<vmem>>, %arg1: memref<8x32xi32, #tpu.memory_space<vmem>>) attributes {dimension_semantics = [], scalar_prefetch = 0 : i64, scratch_operands = 0 : i64, tpu.core_type = #tpu.core_type<tc>} {
    %get3A = arith.constant 0 : index
    %get3A_0 = arith.constant 0 : index
    %get3A_1 = vector.load %arg0[%get3A, %get3A_0] : memref<8x4096xf32, #tpu.memory_space<vmem>>, vector<8x4096xf32>
    %bitcast_convert_type3A = tpu.bitcast %get3A_1 : vector<8x4096xf32> -> vector<8x4096xi32>
    %broadcast_in_dim3A = arith.constant 0 : i32
    %broadcast_in_dim3A_2 = vector.broadcast %broadcast_in_dim3A : i32 to vector<8x1xi32>
    %scan3A = arith.constant 0 : i32
    %scan3A_3 = arith.constant 31 : i32
    %scan3A_4 = arith.addi %scan3A, %scan3A_3 : i32
    %scan3A_5 = arith.constant 1 : i32
    %scan3A_6 = scf.for %scan3A_21 = %scan3A to %scan3A_4 step %scan3A_5 iter_args(%scan3A_22 = %broadcast_in_dim3A_2) -> (vector<8x1xi32>)  : i32 {
      %sub3A_23 = arith.constant 30 : i32
      %sub3A_24 = arith.subi %sub3A_23, %scan3A_21 : i32
      %shift_left3A = arith.constant 1 : i32
      %shift_left3A_25 = arith.shli %shift_left3A, %sub3A_24 : i32
      %or3A = vector.broadcast %shift_left3A_25 : i32 to vector<8x1xi32>
      %or3A_26 = arith.ori %scan3A_22, %or3A : vector<8x1xi32>
      %ge3A = vector.broadcast %or3A_26 : vector<8x1xi32> to vector<8x4096xi32>
      %ge3A_27 = arith.cmpi sge, %bitcast_convert_type3A, %ge3A : vector<8x4096xi32>
      %convert_element_type3A_28 = arith.extui %ge3A_27 : vector<8x4096xi1> to vector<8x4096xi32>
      %reduce_sum3A_29 = arith.constant dense<0> : vector<8xi32>
      %reduce_sum3A_30 = vector.multi_reduction <add>, %convert_element_type3A_28, %reduce_sum3A_29 [1] : vector<8x4096xi32> to vector<8xi32>
      %broadcast_in_dim3A_31 = vector.shape_cast %reduce_sum3A_30 : vector<8xi32> to vector<8x1xi32>
      %ge3A_32 = arith.constant 2048 : i32
      %ge3A_33 = vector.broadcast %ge3A_32 : i32 to vector<8x1xi32>
      %ge3A_34 = arith.cmpi sge, %broadcast_in_dim3A_31, %ge3A_33 : vector<8x1xi32>
      %select_n3A_35 = arith.select %ge3A_34, %or3A_26, %scan3A_22 : vector<8x1xi1>, vector<8x1xi32>
      scf.yield %select_n3A_35 : vector<8x1xi32>
    }
    %scan3A_7 = arith.constant 31 : i32
    %gt3A = vector.broadcast %scan3A_6 : vector<8x1xi32> to vector<8x4096xi32>
    %gt3A_8 = arith.cmpi sgt, %bitcast_convert_type3A, %gt3A : vector<8x4096xi32>
    %convert_element_type3A = arith.extui %gt3A_8 : vector<8x4096xi1> to vector<8x4096xi32>
    %reduce_sum3A = arith.constant dense<0> : vector<8xi32>
    %reduce_sum3A_9 = vector.multi_reduction <add>, %convert_element_type3A, %reduce_sum3A [1] : vector<8x4096xi32> to vector<8xi32>
    %broadcast_in_dim3A_10 = vector.shape_cast %reduce_sum3A_9 : vector<8xi32> to vector<8x1xi32>
    %sub3A = arith.constant 2048 : i32
    %sub3A_11 = vector.broadcast %sub3A : i32 to vector<8x1xi32>
    %sub3A_12 = arith.subi %sub3A_11, %broadcast_in_dim3A_10 : vector<8x1xi32>
    %iota3A = tpu.iota {dimensions = array<i32: 1>} : vector<8x32xi32>
    %lt3A = arith.constant 16 : i32
    %lt3A_13 = vector.broadcast %lt3A : i32 to vector<8x32xi32>
    %lt3A_14 = arith.cmpi slt, %iota3A, %lt3A_13 : vector<8x32xi32>
    %broadcast_in_dim3A_15 = vector.shape_cast %scan3A_6 : vector<8x1xi32> to vector<8x1xi32>
    %broadcast_in_dim3A_16 = vector.broadcast %broadcast_in_dim3A_15 : vector<8x1xi32> to vector<8x32xi32>
    %broadcast_in_dim3A_17 = vector.shape_cast %sub3A_12 : vector<8x1xi32> to vector<8x1xi32>
    %broadcast_in_dim3A_18 = vector.broadcast %broadcast_in_dim3A_17 : vector<8x1xi32> to vector<8x32xi32>
    %select_n3A = arith.select %lt3A_14, %broadcast_in_dim3A_16, %broadcast_in_dim3A_18 : vector<8x32xi1>, vector<8x32xi32>
    %swap3A = arith.constant 0 : index
    %swap3A_19 = arith.constant 0 : index
    %swap3A_20 = vector.load %arg1[%swap3A, %swap3A_19] : memref<8x32xi32, #tpu.memory_space<vmem>>, vector<8x32xi32>
    tpu.vector_store %arg1[%swap3A, %swap3A_19], %select_n3A {strides = array<i32>} : memref<8x32xi32, #tpu.memory_space<vmem>>, vector<8x32xi32>,
    return
  }
}

module attributes {stable_mosaic.version = 14 : i64} {
  func.func @_ot_body(%arg0: i32, %arg1: i32, %arg2: memref<2048x768xf32, #tpu.memory_space<vmem>>, %arg3: memref<2048xf32, #tpu.memory_space<vmem>>, %arg4: memref<1x8x96x2048xf32, #tpu.memory_space<vmem>>) attributes {dimension_semantics = [#tpu.dimension_semantics<arbitrary>, #tpu.dimension_semantics<arbitrary>], iteration_bounds = array<i64: 8, 1>, scalar_prefetch = 0 : i64, scratch_operands = 0 : i64, tpu.core_type = #tpu.core_type<tc>, window_params = [{transform_indices = @transform_0, window_bounds = array<i64: 2048, 768>}, {transform_indices = @transform_1, window_bounds = array<i64: 2048>}, {transform_indices = @transform_2, window_bounds = array<i64: 1, 8, 96, 2048>}]} {
    %get3A = arith.constant 0 : index
    %get3A_0 = arith.constant 0 : index
    %get3A_1 = vector.load %arg2[%get3A, %get3A_0] : memref<2048x768xf32, #tpu.memory_space<vmem>>, vector<2048x768xf32>
    %transpose3A = tpu.transpose %get3A_1, [1, 0] : vector<2048x768xf32> -> vector<768x2048xf32>
    %get3A_2 = arith.constant 0 : index
    %get3A_3 = vector.load %arg3[%get3A_2] : memref<2048xf32, #tpu.memory_space<vmem>>, vector<2048xf32>
    %broadcast_in_dim3A = vector.shape_cast %get3A_3 : vector<2048xf32> to vector<1x2048xf32>
    %mul3A = vector.broadcast %broadcast_in_dim3A : vector<1x2048xf32> to vector<768x2048xf32>
    %mul3A_4 = arith.mulf %transpose3A, %mul3A : vector<768x2048xf32>
    %reshape3A = vector.shape_cast %mul3A_4 : vector<768x2048xf32> to vector<8x96x2048xf32>
    %swap3A = arith.constant 0 : index
    %swap3A_5 = arith.constant 0 : index
    %swap3A_6 = arith.constant 0 : index
    %swap3A_7 = arith.constant 0 : index
    %swap3A_8 = vector.load %arg4[%swap3A, %swap3A_5, %swap3A_6, %swap3A_7] : memref<1x8x96x2048xf32, #tpu.memory_space<vmem>>, vector<1x8x96x2048xf32>
    %swap3A_9 = vector.shape_cast %swap3A_8 : vector<1x8x96x2048xf32> to vector<8x96x2048xf32>
    %swap3A_10 = vector.shape_cast %reshape3A : vector<8x96x2048xf32> to vector<1x8x96x2048xf32>
    tpu.vector_store %arg4[%swap3A, %swap3A_5, %swap3A_6, %swap3A_7], %swap3A_10 {strides = array<i32>} : memref<1x8x96x2048xf32, #tpu.memory_space<vmem>>, vector<1x8x96x2048xf32>,
    return
  }
  func.func @transform_0(%arg0: i32, %arg1: i32) -> (i32, i32) {
    %mul3A = arith.constant 1 : i32
    %mul3A_0 = arith.muli %arg0, %mul3A : i32
    %add3A = arith.addi %mul3A_0, %arg1 : i32
    %c0_i32 = arith.constant 0 : i32
    %c0_i32_1 = arith.constant 0 : i32
    return %add3A, %c0_i32 : i32, i32
  }
  func.func @transform_1(%arg0: i32, %arg1: i32) -> i32 {
    %mul3A = arith.constant 1 : i32
    %mul3A_0 = arith.muli %arg0, %mul3A : i32
    %add3A = arith.addi %mul3A_0, %arg1 : i32
    %c0_i32 = arith.constant 0 : i32
    return %add3A : i32
  }
  func.func @transform_2(%arg0: i32, %arg1: i32) -> (i32, i32, i32, i32) {
    %c0_i32 = arith.constant 0 : i32
    %c0_i32_0 = arith.constant 0 : i32
    %c0_i32_1 = arith.constant 0 : i32
    return %arg0, %c0_i32, %c0_i32_0, %arg1 : i32, i32, i32, i32
  }
}

</mosaic_0001>

<sc_bundles>
// kernel: kernel.6.cloned.1.call-start
scs
__scs_entry_jumppad:
0x0: {  	(pc) =	sbr.rel $0x88, $3  }
0x1: {  	(tag) =	ssettag $0x0;
	lr =	simm.s32 $0x1  }
0x2: {  	[smem:$0x3F9C] =	sst lr;
	_ =	strace $0xD0000000  }
0x3: {  	_ = 	snop  }
0x4: {  	_ = 	snop  }
0x5: {  	_ = 	snop  }
0x6: {  	_ = 	snop  }
0x7: {  	_ = 	snop  }
__scs_overlays_trampoline_lowered:
0x8: {  	[smem:$0x3FAB] =	sst s0  }
0x9: {  	[smem:$0x3FAC] =	sst s1  }
0xa: {  	[smem:$0x3FAD] =	sst s2  }
0xb: {  	[smem:$0x3FAE] =	sst s3  }
0xc: {  	[smem:$0x3FAF] =	sst s4  }
0xd: {  	[smem:$0x3FB0] =	sst s5  }
0xe: {  	[smem:$0x3FB1] =	sst s6  }
0xf: {  	[smem:$0x3FB2] =	sst s7  }
0x10: {  	[smem:$0x3FB3] =	sst s8  }
0x11: {  	[smem:$0x3FB4] =	sst s9;
	s0 =	simm.s32 @!p0 $0x0  }
0x12: {  	s1 =	sld [smem:$0x3F9A];
	s0 =	simm.s32 @p0 $0x1  }
0x13: {  	[smem:$0x3FB5] =	sst s0;
	s0 =	simm.s32 @!p1 $0x0  }
0x14: {  	s2 =	sld [smem:$0x3F99];
	s0 =	simm.s32 @p1 $0x1  }
0x15: {  	[smem:$0x3FB6] =	sst s0;
	s0 =	simm.s32 @!p2 $0x0  }
0x16: {  	s3 =	sld [smem:$0x3FDB];
	s0 =	simm.s32 @p2 $0x1  }
0x17: {  	s4 =	simm.s32 $0x1BF5;
	[smem:$0x3FB8] =	sst s0  }
0x18: {  	s0 =	sld [smem:$0x3F9B];
	_ =	swait.ge [sflag:s4], $0x0  }
0x19: {  	s7 =	sld [smem:$0x3F9C]  }
0x1a: {  	s8 =	sadd.s32 $0xFFFFE003, lr  }
0x1b: {  	s9 =	sadd.s32 $0xFFFFFEF7, lr;
	s5 =	simm.s32 $0xFFFFFFFF;
	p2 =	slt.u32 s8, $0xFFFFF086  }
0x1c: {  	p1 =	slt.u32 s9, $0xF7A;
	s5 =	simm.s32 @!p2 $0x0  }
0x1d: {  	s5 =	simm.s32 @p1 $0x1;
	p0 =	seq.s32 s7, s2  }
0x1e: {  	s7 =	smul.u32 @!p0 $0xF7A, s2;
	p2 =	seq.s32 @!p0 s5, $0x0  }
0x1f: {  	s9 =	smul.u32 $0xF7A, s1;
	s8 =	simm.s32 @!p0 $0x1BF5;
	p2 =	por !p2, p0  }
0x20: {  	[sflag:s8] =	ssyncset.s32 @!p0 $0xFFFFF086;
	s6 =	sadd.s32 @!p0 s3, s7;
	s7 =	simm.s32 @!p0 $0x108  }
0x21: {  	s3 =	sadd.s32 s3, s9;
	s6 =	sadd.s32 @!p0 $0x88, s6;
	s7 =	simm.s32 @p2 $0x1082  }
0x22: {  	[simem:s7], [sflag:s8] =	dma.local @!p0 [hbm:s6], $0xF7A  }
0x23: {  	s9 =	sor.u32 $0xD0000000, s2;
	s6 =	simm.s32 $0x108;
	_ =	swait.ge @!p0 [sflag:s8], $0x0  }
0x24: {  	s3 =	sadd.s32 $0x88, s3;
	s6 =	simm.s32 @!p1 $0x1082;
	[sflag:s4] =	ssyncset.s32 $0xFFFFF086  }
0x25: {  	[simem:s6], [sflag:s4] =	dma.local [hbm:s3], $0xF7A  }
0x26: {  	[smem:$0x3F9C] =	sst s1;
	(tag) =	ssettag s2;
	_ =	strace s9  }
0x27: {  	s1 =	sld [smem:$0x3FAC]  }
0x28: {  	s2 =	sld [smem:$0x3FAD]  }
0x29: {  	s4 =	sld [smem:$0x3FAF]  }
0x2a: {  	p0 =	seq.s32 s5, $0x0;
	s5 =	sld [smem:$0x3FB0]  }
0x2b: {  	s6 =	sld [smem:$0x3FB1]  }
0x2c: {  	s7 =	sld [smem:$0x3FB2]  }
0x2d: {  	s3 =	simm.s32 $0x108;
	s8 =	sld [smem:$0x3FB3]  }
0x2e: {  	s3 =	simm.s32 @!p0 $0x1082;
	s9 =	sld [smem:$0x3FB4]  }
0x2f: {  	lr =	sadd.s32 s0, s3;
	s0 =	sld [smem:$0x3FAB]  }
0x30: {  	s3 =	sld [smem:$0x3FAE]  }
0x31: {  	[smem:$0x3FB7] =	sst s10  }
0x32: {  	s10 =	sld [smem:$0x3FB5];
	_ =	sdelay $0x3  }
0x33: {  	p0 =	seq.s32 s10, $0x1;
	s10 =	sld [smem:$0x3FB7];
	_ =	sdelay $0x3  }
0x34: {  	[smem:$0x3FB7] =	sst s10  }
0x35: {  	s10 =	sld [smem:$0x3FB6];
	_ =	sdelay $0x3  }
0x36: {  	p1 =	seq.s32 s10, $0x1;
	s10 =	sld [smem:$0x3FB7];
	_ =	sdelay $0x3  }
0x37: {  	[smem:$0x3FB7] =	sst s10  }
0x38: {  	s10 =	sld [smem:$0x3FB8]  }
0x39: {  	_ = 	snop;
	(pc) =	sbr.ind lr, $3  }
0x3a: {  	_ = 	snop  }
0x3b: {  	_ = 	snop  }
0x3c: {  	p2 =	seq.s32 s10, $0x1;
	s10 =	sld [smem:$0x3FB7]  }
0x3d: {  	_ =	shalt  }
0x3e: {  	_ =	shalt  }
0x3f: {  	_ =	shalt  }
0x40: {  	_ =	shalt  }
0x41: {  	_ =	shalt  }
0x42: {  	_ =	shalt  }
0x43: {  	_ =	shalt  }
0x44: {  	_ =	shalt  }
0x45: {  	_ =	shalt  }
0x46: {  	_ =	shalt  }
0x47: {  	_ =	shalt  }
0x48: {  	_ =	shalt  }
0x49: {  	_ =	shalt  }
0x4a: {  	_ =	shalt  }
0x4b: {  	_ =	shalt  }
0x4c: {  	_ =	shalt  }
0x4d: {  	_ =	shalt  }
0x4e: {  	_ =	shalt  }
0x4f: {  	_ =	shalt  }
0x50: {  	_ =	shalt  }
0x51: {  	_ =	shalt  }
0x52: {  	_ =	shalt  }
0x53: {  	_ =	shalt  }
0x54: {  	_ =	shalt  }
0x55: {  	_ =	shalt  }
0x56: {  	_ =	shalt  }
0x57: {  	_ =	shalt  }
0x58: {  	_ =	shalt  }
0x59: {  	_ =	shalt  }
0x5a: {  	_ =	shalt  }
0x5b: {  	_ =	shalt  }
0x5c: {  	_ =	shalt  }
0x5d: {  	_ =	shalt  }
0x5e: {  	_ =	shalt  }
0x5f: {  	_ =	shalt  }
0x60: {  	_ =	shalt  }
0x61: {  	_ =	shalt  }
0x62: {  	_ =	shalt  }
0x63: {  	_ =	shalt  }
0x64: {  	_ =	shalt  }
0x65: {  	_ =	shalt  }
0x66: {  	_ =	shalt  }
0x67: {  	_ =	shalt  }
0x68: {  	_ =	shalt  }
0x69: {  	_ =	shalt  }
0x6a: {  	_ =	shalt  }
0x6b: {  	_ =	shalt  }
0x6c: {  	_ =	shalt  }
0x6d: {  	_ =	shalt  }
0x6e: {  	_ =	shalt  }
0x6f: {  	_ =	shalt  }
0x70: {  	_ =	shalt  }
0x71: {  	_ =	shalt  }
0x72: {  	_ =	shalt  }
0x73: {  	_ =	shalt  }
0x74: {  	_ =	shalt  }
0x75: {  	_ =	shalt  }
0x76: {  	_ =	shalt  }
0x77: {  	_ =	shalt  }
0x78: {  	_ =	shalt  }
0x79: {  	_ =	shalt  }
0x7a: {  	_ =	shalt  }
0x7b: {  	_ =	shalt  }
0x7c: {  	_ =	shalt  }
0x7d: {  	_ =	shalt  }
0x7e: {  	_ =	shalt  }
0x7f: {  	_ =	shalt  }
0x80: {  	_ =	shalt  }
0x81: {  	_ =	shalt  }
0x82: {  	_ =	shalt  }
0x83: {  	_ =	shalt  }
0x84: {  	_ =	shalt  }
0x85: {  	_ =	shalt  }
0x86: {  	_ =	shalt  }
0x87: {  	_ =	shalt  }
.Lfunc_end0:
.L_simem_size_0:
called_computation_lowered:
.L_overlay_start_0:
0x88: {  	s2 =	sld [smem:$0x3FD9]  }
0x89: {  	s3 =	sld [smem:$0x3FFE];
	_ =	sdelay $0x1  }
0x8a: {  	s1 =	srdreg.scid  }
0x8b: {  	s0 =	sand.u32 $0x1, s1  }
0x8c: {  	s14 =	sshll.u32 s0, $0xA;
	s2 =	sadd.s32 s3, s2  }
0x8d: {  	s2 =	sadd.s32 s2, s14  }
0x8e: {  	[smem:$0x3FC3] =	sst s2  }
0x8f: {  	_ = 	snop  }
0x90: {  	s2 =	sld [smem:$0x3FD0];
	_ =	sdelay $0x2  }
0x91: {  	s15 =	simm.s32 $0xA;
	s4 =	simm.s32 $0x10  }
0x92: {  	[smem:s4], [sflag:s15] =	dma.local [hbm:s2], $0x1  }
0x93: {  	_ =	swait.eq [sflag:s15], $0x1  }
0x94: {  	[sflag:s15] =	ssyncset.done $0x0  }
0x95: {  	s16 =	sld [smem:$0x10];
	[sflag:s15] =	ssyncadd.s32 $0xFFFFFFFF  }
0x96: {  	s17 =	sld [smem:$0x11];
	(tm) =	ssettm $0x1  }
0x97: {  	s18 =	sld [smem:$0x3FFB];
	_ =	sdelay $0x3  }
0x98: {  	_ =	strace s18  }
0x99: {  	s4 =	sld [smem:$0x3FFC];
	_ =	sdelay $0x3  }
0x9a: {  	_ =	strace s4  }
0x9b: {  	s4 =	sld [smem:$0x3FFD];
	_ =	sdelay $0x3  }
0x9c: {  	_ =	strace s4  }
0x9d: {  	_ =	strace $0x8FFFFFFF  }
0x9e: {  	s19 =	sld [smem:$0x3FDB];
	_ =	sdelay $0x1  }
0x9f: {  	s5 =	simm.s32 $_scs_section_size  }
0xa0: {  	s6 =	simm.s32 $_size__tile_overlayer_lowered;
	s7 =	simm.s32 $_tile_overlayer_lowered  }
0xa1: {  	s22 =	simm.s32 $0x1BFF;
	s21 =	sshll.u32 s7, $0x1;
	s4 =	sadd.s32 s5, s19  }
0xa2: {  	s8 =	simm.s32 $0x0;
	s20 =	sshll.u32 s6, $0x1;
	s6 =	sadd.s32 s21, s4  }
0xa3: {  	[timem:s8], [sflag:s22] =	dma.local [hbm:s6], s20  }
0xa4: {  	_ =	swait.ge [sflag:s22], s20  }
0xa5: {  	s5 =	ssub.s32 $0x0, s20;
	[sflag:s22] =	ssyncset.done $0x0  }
0xa6: {  	[sflag:s22] =	ssyncadd.s32 s5;
	_ =	sdelay $0x1  }
0xa7: {  	s23 =	simm.s32 $0x1B8B  }
0xa8: {  	_ =	swait.ge [sflag:s23], $0x1  }
0xa9: {  	[sflag:s23] =	ssyncset.done $0x0  }
0xaa: {  	s25 =	simm.s32 $0x1B8E;
	s24 =	sld [smem:$0x3FFE];
	[sflag:s23] =	ssyncadd.s32 $0xFFFFFFFF  }
0xab: {  	s26 =	simm.s32 $execute0_lowered;
	[smem:$0x3FD2] =	sst s25  }
0xac: {  	s6 =	sshll.u32 s26, $0x1;
	_ =	strace $0x80000046;
	[dreg:$0x1] =	wrdreg $0xFFFFFFFF  }
0xad: {  	s28 =	simm.s32 $_size_execute0_lowered;
	s4 =	sadd.s32 s4, s6;
	[dreg:$0x0] =	wrdreg $0x0  }
0xae: {  	s6 =	sshll.u32 s28, $0x1;
	[dreg:$0x2] =	wrdreg s4  }
0xaf: {  	[dreg:$0x3] =	wrdreg s6  }
0xb0: {  	[dreg:$0x4] =	wrdreg $0xC0  }
0xb1: {  	_ =	task [dreg:s8], $0x5FFFF  }
0xb2: {  	[dreg:$0x1] =	wrdreg $0xFFFFFFFF  }
0xb3: {  	[dreg:$0x0] =	wrdreg $0x60  }
0xb4: {  	[dreg:$0x2] =	wrdreg s24  }
0xb5: {  	[dreg:$0x3] =	wrdreg s16  }
0xb6: {  	[dreg:$0x4] =	wrdreg s17  }
0xb7: {  	[dreg:$0x5] =	wrdreg $0x9  }
0xb8: {  	_ =	task.clear_ibuf [dreg:s8], $0x6FFFF;
	_ =	strace $0x90000046  }
0xb9: {  	s29 =	simm.s32 $0x9;
	_ =	strace $0x80000048  }
0xba: {  	_ =	swait.ge [sflag:s29], $0x1  }
0xbb: {  	[sflag:s29] =	ssyncadd.s32 $0xFFFFFFFF  }
0xbc: {  	_ =	strace $0x90000048  }
0xbd: {  	_ =	sfence  }
0xbe: {  	s30 =	sld [smem:$0x0];
	_ =	sdelay $0x2  }
0xbf: {  	s31 =	sshll.u32 s1, $0xD;
	s1 =	sshrl.u32 s1, $0x2  }
0xc0: {  	s3 =	sand.u32 $0x4000, s31;
	s1 =	sadd.s32 s1, s30  }
0xc1: {  	s0 =	sor.u32 s3, s0;
	s1 =	sshll.u32 s1, $0x11  }
0xc2: {  	s0 =	sor.u32 s1, s0  }
0xc3: {  	s0 =	sadd.s32 $0x8F2B, s0  }
0xc4: {  	[sflag:s0] =	ssyncadd.remote.s32 $0x1  }
0xc5: {  	_ =	sfence.sel $0xFFFF  }
0xc6: {  	[dreg:$0x0] =	wrdreg $0xFFFFFFFF;
	(pc) =	sbr.abs _section_cstart, $3  }
0xc7: {  	[dreg:$0x1] =	wrdreg $0xFFFFFFFF  }
0xc8: {  	_ =	task.clear_ibuf [dreg:s8], $0x2FFFF;
	_ =	strace $0x9FFFFFFF  }
0xc9: {  	(tm) =	ssettm $0x7FFFFFFF  }
tec
execute0_lowered:
.L_overlay_start_1:
0x0: {  	(tag) =	ssettag $0x1  }
0x1: {  	s0 =	rddreg [dreg:$0x0]  }
0x2: {  	s1 =	rddreg [dreg:$0x1];
	s6 =	stileid.u32  }
0x3: {  	s5 =	rddreg [dreg:$0x2];
	s2 =	srdreg.scid  }
0x4: {  	s29 =	simm.s32 $0xE200;
	s3 =	sshll.u32 s6, $0x1;
	s4 =	sand.u32 $0x1, s2  }
0x5: {  	s2 =	simm.s32 $0x0;
	s6 =	sshrl.u32 s6, $0x1;
	s17 =	sadd.s32 $0x301E00, s0  }
0x6: {  	s3 =	sand.u32 $0x2, s3;
	[smem:$0x7FF] =	sst s2;
	s8 =	sshll.u32 s6, $0xB  }
0x7: {  	s10 =	ssub.s32 $0x2, s4;
	s26 =	sshll.u32 s6, $0x9;
	s12 =	sshll.u32 s6, $0x4  }
0x8: {  	s24 =	sshll.u32 s6, $0x2;
	s6 =	sshll.u32 s6, $0xC;
	s7 =	sor.u32 s4, s3  }
0x9: {  	_ =	strace $0x80000047;
	s4 =	sadd.s32 $0x1400, s0;
	s11 =	sshrl.u32 s10, $0x1  }
0xa: {  	s1 =	sadd.s32 s1, s26;
	s28 =	sadd.s32 s5, s12;
	v0 =	vmov s6;
	s6 =	simm.s32 $0x2  }
0xb: {  	s3 =	sshll.u32 s7, $0x9;
	s10 =	ssub.s32 s10, s11;
	[dreg:$0x4] =	wrdreg s1  }
0xc: {  	[dreg:$0x5] =	wrdreg s28;
	p0 =	sne.s32 s7, $0x3;
	s7 =	simm.s32 $0x3  }
0xd: {  	s9 =	sor.u32 s8, s3;
	s30 =	sor.u32 $0x80, s3;
	s15 =	sor.u32 $0xC0, s3  }
0xe: {  	s16 =	sor.u32 $0x100, s3;
	s13 =	sor.u32 $0x140, s3;
	[dreg:$0x6] =	wrdreg s30  }
0xf: {  	s14 =	sor.u32 $0x180, s3;
	s28 =	smax.u32 s10, $0x1;
	[dreg:$0x7] =	wrdreg s15  }
0x10: {  	s9 =	sshrl.u32 s9, $0x3;
	s5 =	sor.u32 s8, s30;
	[dreg:$0x8] =	wrdreg s16  }
0x11: {  	s11 =	sor.u32 s8, s15;
	s12 =	sor.u32 s8, s16;
	[dreg:$0x9] =	wrdreg s13  }
0x12: {  	s13 =	sor.u32 s8, s13;
	s15 =	sor.u32 $0x1C0, s3;
	[dreg:$0xa] =	wrdreg s14  }
0x13: {  	s14 =	sor.u32 s8, s14;
	[dreg:$0x15] =	wrdreg s28;
	s30 =	sor.u32 $0x1880, s3  }
0x14: {  	s31 =	smul.u32 $0x300, s9;
	s5 =	sshrl.u32 s5, $0x3;
	s11 =	sshrl.u32 s11, $0x3  }
0x15: {  	s12 =	sshrl.u32 s12, $0x3;
	s13 =	sshrl.u32 s13, $0x3;
	s5 =	smul.u32 $0x300, s5  }
0x16: {  	s14 =	sshrl.u32 s14, $0x3;
	[dreg:$0xb] =	wrdreg s15;
	s11 =	smul.u32 $0x300, s11  }
0x17: {  	s8 =	sor.u32 s8, s15;
	s25 =	sadd.s32 s9, s0;
	s12 =	smul.u32 $0x300, s12  }
0x18: {  	[dreg:$0x16] =	wrdreg s30;
	s13 =	smul.u32 $0x300, s13;
	s26 =	sadd.s32 $0x301600, s25  }
0x19: {  	s14 =	smul.u32 $0x300, s14;
	s16 =	sadd.s32 s17, s31;
	[dreg:$0x14] =	wrdreg s26  }
0x1a: {  	s8 =	sshrl.u32 s8, $0x3;
	s18 =	sadd.s32 s17, s5;
	[dreg:$0xc] =	wrdreg s16  }
0x1b: {  	s25 =	sadd.s32 $0x200, s3;
	s20 =	sadd.s32 s17, s11;
	[dreg:$0xd] =	wrdreg s18  }
0x1c: {  	s19 =	smul.u32 $0x300, s8;
	s21 =	sadd.s32 s17, s12;
	[dreg:$0xe] =	wrdreg s20  }
0x1d: {  	s22 =	sadd.s32 s17, s13;
	s23 =	sadd.s32 s17, s14;
	[dreg:$0xf] =	wrdreg s21  }
0x1e: {  	s31 =	sadd.s32 $0x1800, s16;
	s5 =	simm.s32 $0x4;
	[dreg:$0x10] =	wrdreg s22  }
0x1f: {  	s14 =	simm.s32 $0x0;
	[dreg:$0x11] =	wrdreg s23;
	s1 =	sadd.s32 s17, s19  }
0x20: {  	v1 =	vlaneseq.u32;
	s22 =	sadd.s32 $0x1500, s0;
	[dreg:$0x12] =	wrdreg s1;
	s1 =	sadd.s32 s24, s0  }
0x21: {  	v2 =	vimm.s32 $0x0;
	vm0 =	vmmov $0xffff;
	v4 =	vshrl.u32 v1, $0x3;
	s23 =	sadd.s32 $0x1600, s0;
	[dreg:$0x17] =	wrdreg s31;
	s1 =	sadd.s32 $0x301400, s1  }
0x22: {  	v3 =	vand.u32 $0x7, v1;
	v5 =	vor.u32 $0x8, v1;
	v4 =	vmul.u32 $0x8, v4;
	s0 =	simm.s32 $0x2200;
	[dreg:$0x13] =	wrdreg s1;
	s1 =	simm.s32 $0x1  }
.LBB2_1:
0x23: {  	s8 =	rddreg [dreg:$0x4]  }
0x24: {  	[tilespmem:s2], [sflag:$0x4] =	stream.linear.gather [hbm4b:s8+s2], $0x1000, $0x38;
	[tilespmem:$0x1A200] =	vst v63  }
0x25: {  	_ =	swait.ge [sflag:s5], $0x1000  }
0x26: {  	[sflag:s5] =	ssyncset.done $0x0  }
0x27: {  	s9 =	simm.s32 $0x2100;
	s31 =	rddreg [dreg:$0x13];
	[sflag:s5] =	ssyncadd.s32 $0xFFFFF000  }
0x28: {  	[tilespmem:s9], [sflag:$0x4] =	stream.linear.gather [hbm4b:s31+s2], $0x20, $0x38;
	[tilespmem:$0x1A200] =	vst v63  }
0x29: {  	_ =	swait.ge [sflag:s5], $0x20  }
0x2a: {  	[sflag:s5] =	ssyncset.done $0x0  }
0x2b: {  	[sflag:s5] =	ssyncadd.s32 $0xFFFFFFE0  }
0x2c: {  	s15 =	simm.s32 $0x0;
	s16 =	simm.s32 $0x0;
	v6 =	vld [tilespmem:$0x2100]  }
0x2d: {  	s17 =	simm.s32 $0x0;
	s8 =	simm.s32 $0x0;
	s9 =	simm.s32 $0x0;
	v7 =	vld [tilespmem:$0x2110]  }
.LBB2_2:
0x2e: {  	v8 =	vld [tilespmem:s15+$0x0];
	_ =	sdelay $0x4  }
0x2f: {  	vm1 =	veq.s32 v6, v8  }
0x30: {  	v9 =	vsel vm1, $0x1, v2  }
0x31: {  	(xrf0) =	vadd.scan.msk.s32 $0xffff, v9;
	_ =	sdelay $0x5  }
0x32: {  	v9, _, _ =	vpop (xrf0)  }
0x33: {  	v10 =	vadd.s32 s16, v9  }
0x34: {  	vm2 =	vle.s32 v10, v7  }
0x35: {  	vm3 =	vlt.s32 v6, v8;
	vm1 =	vmand vm1, vm2  }
0x36: {  	vm1 =	vmor vm3, vm1  }
0x37: {  	v60 =	vsel vm1, $0x1, v2  }
0x38: {  	(xrf0) =	vadd.scan.msk.s32 $0xffff, v60;
	_ =	sdelay $0x5  }
0x39: {  	v10, _, _ =	vpop (xrf0)  }
0x3a: {  	(v2sf) =	vpush v10, $0xF;
	_ =	sdelay $0x1  }
0x3b: {  	v61 =	vadd.f32 $9.999999970e-07, v8;
	_ =	sdelay $0x1  }
0x3c: {  	(erf) = vrcp.f32 v61;
	_ =	sdelay $0x2  }
0x3d: {  	(v2sf) =	vpush v9, $0xF;
	_ =	sdelay $0x5  }
0x3e: {  	v62 =	vpop (erf)  }
0x3f: {  	v63 =	vor.u32 s8, v1;
	v8 =	vmul.f32 v62, v8  }
0x40: {  	[tilespmem:s9+$0x1000] =	vst.msk vm1, v63;
	s18 =	spop (v2sf)  }
0x41: {  	p1 =	sgt.u32 s17, $0xFE;
	[tilespmem:s9+$0x1880] =	vst.msk vm1, v8;
	s9 =	sadd.s32 s9, s18  }
0x42: {  	p2 =	slt.s32 @!p1 s9, s25  }
0x43: {  	p1 =	por p1, !p2  }
.Ltmp0:
0x44: {  	_ = 	snop;
	(pc) =	sbr.rel @!p1 .LBB2_2-.Ltmp0, $3  }
0x45: {  	_ =	sdelay $0x1  }
0x46: {  	s17 =	sadd.s32 $0x1, s17;
	s31 =	spop (v2sf)  }
0x47: {  	s15 =	sadd.s32 $0x10, s15;
	s8 =	sadd.s32 $0x10, s8;
	s16 =	sadd.s32 s16, s31  }
0x48: {  	s8 =	simm.s32 @!p0 $0x80  }
0x49: {  	s9 =	simm.s32 @!p0 $0x400;
	s15 =	simm.s32 @!p0 $0x1000;
	s16 =	rddreg [dreg:$0x5]  }
0x4a: {  	[hbm4b:s16+s8] =	stream.strided.scatter @!p0 [tilespmem:s15], [sflag:$0x4], $0x800, s9, s8, $0x38;
	[tilespmem:$0x1A200] =	vst v63  }
0x4b: {  	s8 =	simm.s32 @!p0 $0x4  }
0x4c: {  	_ =	swait.ge @!p0 [sflag:s8], $0x800  }
0x4d: {  	[sflag:s8] =	ssyncset.done @!p0 $0x0;
	s30 =	rddreg [dreg:$0x14]  }
0x4e: {  	s31 =	rddreg [dreg:$0x16];
	[sflag:s8] =	ssyncadd.s32 @!p0 $0xFFFFF800  }
0x4f: {  	[hbm4b:s30+s2] =	stream.linear.scatter [tilespmem:s31], [sflag:$0x4], $0x200, $0x38;
	[tilespmem:$0x1A200] =	vst v63  }
0x50: {  	_ =	swait.ge [sflag:s5], $0x200  }
0x51: {  	[sflag:s5] =	ssyncset.done $0x0  }
0x52: {  	[sflag:s5] =	ssyncadd.s32 $0xFFFFFE00  }
0x53: {  	v6 =	vld [tilespmem:s3+$0x1000];
	_ =	sdelay $0x4  }
0x54: {  	v7 =	vadd.s32 v0, v6  }
0x55: {  	[tilespmem:$0x2180] =	vst v7  }
0x56: {  	v8 =	vld [tilespmem:s3+$0x1010];
	_ =	sdelay $0x4  }
0x57: {  	v8 =	vadd.s32 v0, v8  }
0x58: {  	[tilespmem:$0x2190] =	vst v8  }
0x59: {  	v8 =	vld [tilespmem:s3+$0x1020];
	_ =	sdelay $0x2  }
0x5a: {  	v7 =	vshrl.u32 v7, $0x3  }
0x5b: {  	v7 =	vmul.u32 $0x30, v7  }
0x5c: {  	v6 =	vand.u32 $0x7, v6;
	v8 =	vadd.s32 v0, v8  }
0x5d: {  	v6 =	vor.u32 v6, v7;
	[tilespmem:$0x21A0] =	vst v8  }
0x5e: {  	v49 =	vperm.xlane v6, v3;
	v7 =	vld [tilespmem:s3+$0x1030];
	_ =	sdelay $0x1  }
0x5f: {  	v8 =	vadd.s32 v4, v49;
	_ =	sdelay $0x2  }
0x60: {  	v7 =	vadd.s32 v0, v7  }
0x61: {  	v6 =	vperm.xlane v6, v5;
	[tilespmem:$0x21B0] =	vst v7  }
0x62: {  	[tilespmem:s0], [sflag:$0x1] =	stream.indirect_vreg.gather [hbm4b:s4+s2], $0x80, v8, vm0, $0xb8;
	[tilespmem:$0x1A200] =	vst v63  }
0x63: {  	s10 =	simm.s32 $0x2A00;
	v6 =	vadd.s32 v4, v6  }
0x64: {  	[tilespmem:s10], [sflag:$0x1] =	stream.indirect_vreg.gather [hbm4b:s22+s2], $0x80, v8, vm0, $0xb8;
	[tilespmem:$0x1A200] =	vst v63  }
0x65: {  	s11 =	simm.s32 $0x3200  }
0x66: {  	[tilespmem:s11], [sflag:$0x1] =	stream.indirect_vreg.gather [hbm4b:s23+s2], $0x80, v8, vm0, $0xb8;
	[tilespmem:$0x1A200] =	vst v63  }
0x67: {  	s12 =	simm.s32 $0x3A00  }
0x68: {  	[tilespmem:s12], [sflag:$0x1] =	stream.indirect_vreg.gather [hbm4b:s4+s2], $0x80, v6, vm0, $0xb8;
	[tilespmem:$0x1A200] =	vst v63  }
0x69: {  	s13 =	simm.s32 $0x4200  }
0x6a: {  	[tilespmem:s13], [sflag:$0x1] =	stream.indirect_vreg.gather [hbm4b:s22+s2], $0x80, v6, vm0, $0xb8;
	[tilespmem:$0x1A200] =	vst v63  }
0x6b: {  	s15 =	simm.s32 $0x4A00  }
0x6c: {  	[tilespmem:s15], [sflag:$0x1] =	stream.indirect_vreg.gather [hbm4b:s23+s2], $0x80, v6, vm0, $0xb8;
	[tilespmem:$0x1A200] =	vst v63  }
0x6d: {  	v6 =	vld [tilespmem:$0x2190];
	_ =	sdelay $0x4  }
0x6e: {  	v7 =	vshrl.u32 v6, $0x3  }
0x6f: {  	v7 =	vmul.u32 $0x30, v7  }
0x70: {  	v6 =	vand.u32 $0x7, v6  }
0x71: {  	v6 =	vor.u32 v6, v7  }
0x72: {  	v7 =	vperm.xlane v6, v3;
	_ =	sdelay $0x1  }
0x73: {  	v7 =	vadd.s32 v4, v7;
	_ =	sdelay $0x3  }
0x74: {  	s16 =	simm.s32 $0x5200;
	v6 =	vperm.xlane v6, v5  }
0x75: {  	[tilespmem:s16], [sflag:$0x1] =	stream.indirect_vreg.gather [hbm4b:s4+s2], $0x80, v7, vm0, $0xb8;
	[tilespmem:$0x1A200] =	vst v63  }
0x76: {  	s17 =	simm.s32 $0x5A00;
	v6 =	vadd.s32 v4, v6  }
0x77: {  	[tilespmem:s17], [sflag:$0x1] =	stream.indirect_vreg.gather [hbm4b:s22+s2], $0x80, v7, vm0, $0xb8;
	[tilespmem:$0x1A200] =	vst v63  }
0x78: {  	s18 =	simm.s32 $0x6200  }
0x79: {  	[tilespmem:s18], [sflag:$0x1] =	stream.indirect_vreg.gather [hbm4b:s23+s2], $0x80, v7, vm0, $0xb8;
	[tilespmem:$0x1A200] =	vst v63  }
0x7a: {  	s19 =	simm.s32 $0x6A00  }
0x7b: {  	[tilespmem:s19], [sflag:$0x1] =	stream.indirect_vreg.gather [hbm4b:s4+s2], $0x80, v6, vm0, $0xb8;
	[tilespmem:$0x1A200] =	vst v63  }
0x7c: {  	s20 =	simm.s32 $0x7200  }
0x7d: {  	[tilespmem:s20], [sflag:$0x1] =	stream.indirect_vreg.gather [hbm4b:s22+s2], $0x80, v6, vm0, $0xb8;
	[tilespmem:$0x1A200] =	vst v63  }
0x7e: {  	s21 =	simm.s32 $0x7A00  }
0x7f: {  	[tilespmem:s21], [sflag:$0x1] =	stream.indirect_vreg.gather [hbm4b:s23+s2], $0x80, v6, vm0, $0xb8;
	[tilespmem:$0x1A200] =	vst v63  }
0x80: {  	v6 =	vld [tilespmem:$0x21A0];
	_ =	sdelay $0x4  }
0x81: {  	v7 =	vshrl.u32 v6, $0x3  }
0x82: {  	v7 =	vmul.u32 $0x30, v7  }
0x83: {  	v6 =	vand.u32 $0x7, v6  }
0x84: {  	v6 =	vor.u32 v6, v7  }
0x85: {  	v7 =	vperm.xlane v6, v3;
	_ =	sdelay $0x1  }
0x86: {  	v7 =	vadd.s32 v4, v7;
	_ =	sdelay $0x3  }
0x87: {  	s24 =	simm.s32 $0x8200;
	v6 =	vperm.xlane v6, v5  }
0x88: {  	[tilespmem:s24], [sflag:$0x1] =	stream.indirect_vreg.gather [hbm4b:s4+s2], $0x80, v7, vm0, $0xb8;
	[tilespmem:$0x1A200] =	vst v63  }
0x89: {  	s26 =	simm.s32 $0x8A00;
	v6 =	vadd.s32 v4, v6  }
0x8a: {  	[tilespmem:s26], [sflag:$0x1] =	stream.indirect_vreg.gather [hbm4b:s22+s2], $0x80, v7, vm0, $0xb8;
	[tilespmem:$0x1A200] =	vst v63  }
0x8b: {  	s28 =	simm.s32 $0x9200  }
0x8c: {  	[tilespmem:s28], [sflag:$0x1] =	stream.indirect_vreg.gather [hbm4b:s23+s2], $0x80, v7, vm0, $0xb8;
	[tilespmem:$0x1A200] =	vst v63  }
0x8d: {  	s30 =	simm.s32 $0x9A00  }
0x8e: {  	[tilespmem:s30], [sflag:$0x1] =	stream.indirect_vreg.gather [hbm4b:s4+s2], $0x80, v6, vm0, $0xb8;
	[tilespmem:$0x1A200] =	vst v63  }
0x8f: {  	s13 =	simm.s32 $0xA200  }
0x90: {  	[tilespmem:s13], [sflag:$0x1] =	stream.indirect_vreg.gather [hbm4b:s22+s2], $0x80, v6, vm0, $0xb8;
	[tilespmem:$0x1A200] =	vst v63  }
0x91: {  	s15 =	simm.s32 $0xAA00  }
0x92: {  	[tilespmem:s15], [sflag:$0x1] =	stream.indirect_vreg.gather [hbm4b:s23+s2], $0x80, v6, vm0, $0xb8;
	[tilespmem:$0x1A200] =	vst v63  }
0x93: {  	v6 =	vld [tilespmem:$0x21B0];
	_ =	sdelay $0x4  }
0x94: {  	v7 =	vshrl.u32 v6, $0x3  }
0x95: {  	v7 =	vmul.u32 $0x30, v7  }
0x96: {  	v6 =	vand.u32 $0x7, v6  }
0x97: {  	v6 =	vor.u32 v6, v7  }
0x98: {  	v7 =	vperm.xlane v6, v3;
	_ =	sdelay $0x1  }
0x99: {  	v7 =	vadd.s32 v4, v7;
	_ =	sdelay $0x3  }
0x9a: {  	s16 =	simm.s32 $0xB200;
	v6 =	vperm.xlane v6, v5  }
0x9b: {  	[tilespmem:s16], [sflag:$0x1] =	stream.indirect_vreg.gather [hbm4b:s4+s2], $0x80, v7, vm0, $0xb8;
	[tilespmem:$0x1A200] =	vst v63  }
0x9c: {  	s24 =	simm.s32 $0xBA00;
	v6 =	vadd.s32 v4, v6  }
0x9d: {  	[tilespmem:s24], [sflag:$0x1] =	stream.indirect_vreg.gather [hbm4b:s22+s2], $0x80, v7, vm0, $0xb8;
	[tilespmem:$0x1A200] =	vst v63  }
0x9e: {  	s26 =	simm.s32 $0xC200  }
0x9f: {  	[tilespmem:s26], [sflag:$0x1] =	stream.indirect_vreg.gather [hbm4b:s23+s2], $0x80, v7, vm0, $0xb8;
	[tilespmem:$0x1A200] =	vst v63  }
0xa0: {  	s28 =	simm.s32 $0xCA00  }
0xa1: {  	[tilespmem:s28], [sflag:$0x1] =	stream.indirect_vreg.gather [hbm4b:s4+s2], $0x80, v6, vm0, $0xb8;
	[tilespmem:$0x1A200] =	vst v63  }
0xa2: {  	s30 =	simm.s32 $0xD200  }
0xa3: {  	[tilespmem:s30], [sflag:$0x1] =	stream.indirect_vreg.gather [hbm4b:s22+s2], $0x80, v6, vm0, $0xb8;
	[tilespmem:$0x1A200] =	vst v63  }
0xa4: {  	s16 =	simm.s32 $0xDA00  }
0xa5: {  	[tilespmem:s16], [sflag:$0x1] =	stream.indirect_vreg.gather [hbm4b:s23+s2], $0x80, v6, vm0, $0xb8;
	[tilespmem:$0x1A200] =	vst v63  }
0xa6: {  	_ =	swait.ge [sflag:s1], $0xC000  }
0xa7: {  	[sflag:s1] =	ssyncset.done $0x0  }
0xa8: {  	[sflag:s1] =	ssyncadd.s32 $0xFFFF4000  }
0xa9: {  	v6 =	vld [tilespmem:s3+$0x1040];
	_ =	sdelay $0x4  }
0xaa: {  	v7 =	vadd.s32 v0, v6  }
0xab: {  	[tilespmem:$0x21C0] =	vst v7  }
0xac: {  	v50 =	vld [tilespmem:s3+$0x1050];
	_ =	sdelay $0x4  }
0xad: {  	v8 =	vadd.s32 v0, v50  }
0xae: {  	[tilespmem:$0x21D0] =	vst v8  }
0xaf: {  	v8 =	vld [tilespmem:s3+$0x1060];
	_ =	sdelay $0x2  }
0xb0: {  	v7 =	vshrl.u32 v7, $0x3  }
0xb1: {  	v7 =	vmul.u32 $0x30, v7  }
0xb2: {  	v6 =	vand.u32 $0x7, v6;
	v8 =	vadd.s32 v0, v8  }
0xb3: {  	v6 =	vor.u32 v6, v7;
	[tilespmem:$0x21E0] =	vst v8  }
0xb4: {  	v51 =	vperm.xlane v6, v3;
	v7 =	vld [tilespmem:s3+$0x1070];
	_ =	sdelay $0x1  }
0xb5: {  	v8 =	vadd.s32 v4, v51;
	_ =	sdelay $0x2  }
0xb6: {  	v7 =	vadd.s32 v0, v7  }
0xb7: {  	v6 =	vperm.xlane v6, v5;
	[tilespmem:$0x21F0] =	vst v7  }
0xb8: {  	[tilespmem:s29], [sflag:$0x1] =	stream.indirect_vreg.gather [hbm4b:s4+s2], $0x80, v8, vm0, $0xb8;
	[tilespmem:$0x1A200] =	vst v63  }
0xb9: {  	s8 =	simm.s32 $0xEA00;
	v6 =	vadd.s32 v4, v6  }
0xba: {  	[tilespmem:s8], [sflag:$0x1] =	stream.indirect_vreg.gather [hbm4b:s22+s2], $0x80, v8, vm0, $0xb8;
	[tilespmem:$0x1A200] =	vst v63  }
0xbb: {  	s8 =	simm.s32 $0xF200  }
0xbc: {  	[tilespmem:s8], [sflag:$0x1] =	stream.indirect_vreg.gather [hbm4b:s23+s2], $0x80, v8, vm0, $0xb8;
	[tilespmem:$0x1A200] =	vst v63  }
0xbd: {  	s8 =	simm.s32 $0xFA00  }
0xbe: {  	[tilespmem:s8], [sflag:$0x1] =	stream.indirect_vreg.gather [hbm4b:s4+s2], $0x80, v6, vm0, $0xb8;
	[tilespmem:$0x1A200] =	vst v63  }
0xbf: {  	s8 =	simm.s32 $0x10200  }
0xc0: {  	[tilespmem:s8], [sflag:$0x1] =	stream.indirect_vreg.gather [hbm4b:s22+s2], $0x80, v6, vm0, $0xb8;
	[tilespmem:$0x1A200] =	vst v63  }
0xc1: {  	s8 =	simm.s32 $0x10A00  }
0xc2: {  	[tilespmem:s8], [sflag:$0x1] =	stream.indirect_vreg.gather [hbm4b:s23+s2], $0x80, v6, vm0, $0xb8;
	[tilespmem:$0x1A200] =	vst v63  }
0xc3: {  	v6 =	vld [tilespmem:$0x21D0];
	_ =	sdelay $0x4  }
0xc4: {  	v7 =	vshrl.u32 v6, $0x3  }
0xc5: {  	v7 =	vmul.u32 $0x30, v7  }
0xc6: {  	v6 =	vand.u32 $0x7, v6  }
0xc7: {  	v6 =	vor.u32 v6, v7  }
0xc8: {  	v7 =	vperm.xlane v6, v3;
	_ =	sdelay $0x1  }
0xc9: {  	v7 =	vadd.s32 v4, v7;
	_ =	sdelay $0x3  }
0xca: {  	s8 =	simm.s32 $0x11200;
	v6 =	vperm.xlane v6, v5  }
0xcb: {  	[tilespmem:s8], [sflag:$0x1] =	stream.indirect_vreg.gather [hbm4b:s4+s2], $0x80, v7, vm0, $0xb8;
	[tilespmem:$0x1A200] =	vst v63  }
0xcc: {  	v6 =	vadd.s32 v4, v6;
	s8 =	simm.s32 $0x11A00  }
0xcd: {  	[tilespmem:s8], [sflag:$0x1] =	stream.indirect_vreg.gather [hbm4b:s22+s2], $0x80, v7, vm0, $0xb8;
	[tilespmem:$0x1A200] =	vst v63  }
0xce: {  	s8 =	simm.s32 $0x12200  }
0xcf: {  	[tilespmem:s8], [sflag:$0x1] =	stream.indirect_vreg.gather [hbm4b:s23+s2], $0x80, v7, vm0, $0xb8;
	[tilespmem:$0x1A200] =	vst v63  }
0xd0: {  	s8 =	simm.s32 $0x12A00  }
0xd1: {  	[tilespmem:s8], [sflag:$0x1] =	stream.indirect_vreg.gather [hbm4b:s4+s2], $0x80, v6, vm0, $0xb8;
	[tilespmem:$0x1A200] =	vst v63  }
0xd2: {  	s8 =	simm.s32 $0x13200  }
0xd3: {  	[tilespmem:s8], [sflag:$0x1] =	stream.indirect_vreg.gather [hbm4b:s22+s2], $0x80, v6, vm0, $0xb8;
	[tilespmem:$0x1A200] =	vst v63  }
0xd4: {  	s8 =	simm.s32 $0x13A00  }
0xd5: {  	[tilespmem:s8], [sflag:$0x1] =	stream.indirect_vreg.gather [hbm4b:s23+s2], $0x80, v6, vm0, $0xb8;
	[tilespmem:$0x1A200] =	vst v63  }
0xd6: {  	v6 =	vld [tilespmem:$0x21E0];
	_ =	sdelay $0x4  }
0xd7: {  	v7 =	vshrl.u32 v6, $0x3  }
0xd8: {  	v7 =	vmul.u32 $0x30, v7  }
0xd9: {  	v6 =	vand.u32 $0x7, v6  }
0xda: {  	v6 =	vor.u32 v6, v7  }
0xdb: {  	v7 =	vperm.xlane v6, v3;
	_ =	sdelay $0x1  }
0xdc: {  	v7 =	vadd.s32 v4, v7;
	_ =	sdelay $0x3  }
0xdd: {  	s8 =	simm.s32 $0x14200;
	v6 =	vperm.xlane v6, v5  }
0xde: {  	[tilespmem:s8], [sflag:$0x1] =	stream.indirect_vreg.gather [hbm4b:s4+s2], $0x80, v7, vm0, $0xb8;
	[tilespmem:$0x1A200] =	vst v63  }
0xdf: {  	v6 =	vadd.s32 v4, v6;
	s8 =	simm.s32 $0x14A00  }
0xe0: {  	[tilespmem:s8], [sflag:$0x1] =	stream.indirect_vreg.gather [hbm4b:s22+s2], $0x80, v7, vm0, $0xb8;
	[tilespmem:$0x1A200] =	vst v63  }
0xe1: {  	s8 =	simm.s32 $0x15200  }
0xe2: {  	[tilespmem:s8], [sflag:$0x1] =	stream.indirect_vreg.gather [hbm4b:s23+s2], $0x80, v7, vm0, $0xb8;
	[tilespmem:$0x1A200] =	vst v63  }
0xe3: {  	s8 =	simm.s32 $0x15A00  }
0xe4: {  	[tilespmem:s8], [sflag:$0x1] =	stream.indirect_vreg.gather [hbm4b:s4+s2], $0x80, v6, vm0, $0xb8;
	[tilespmem:$0x1A200] =	vst v63  }
0xe5: {  	s8 =	simm.s32 $0x16200  }
0xe6: {  	[tilespmem:s8], [sflag:$0x1] =	stream.indirect_vreg.gather [hbm4b:s22+s2], $0x80, v6, vm0, $0xb8;
	[tilespmem:$0x1A200] =	vst v63  }
0xe7: {  	s8 =	simm.s32 $0x16A00  }
0xe8: {  	[tilespmem:s8], [sflag:$0x1] =	stream.indirect_vreg.gather [hbm4b:s23+s2], $0x80, v6, vm0, $0xb8;
	[tilespmem:$0x1A200] =	vst v63  }
0xe9: {  	v6 =	vld [tilespmem:$0x21F0];
	_ =	sdelay $0x4  }
0xea: {  	v7 =	vshrl.u32 v6, $0x3  }
0xeb: {  	v7 =	vmul.u32 $0x30, v7  }
0xec: {  	v6 =	vand.u32 $0x7, v6  }
0xed: {  	v6 =	vor.u32 v6, v7  }
0xee: {  	v7 =	vperm.xlane v6, v3;
	_ =	sdelay $0x1  }
0xef: {  	v7 =	vadd.s32 v4, v7;
	_ =	sdelay $0x3  }
0xf0: {  	s8 =	simm.s32 $0x17200;
	v6 =	vperm.xlane v6, v5  }
0xf1: {  	[tilespmem:s8], [sflag:$0x1] =	stream.indirect_vreg.gather [hbm4b:s4+s2], $0x80, v7, vm0, $0xb8;
	[tilespmem:$0x1A200] =	vst v63  }
0xf2: {  	v6 =	vadd.s32 v4, v6;
	s8 =	simm.s32 $0x17A00  }
0xf3: {  	[tilespmem:s8], [sflag:$0x1] =	stream.indirect_vreg.gather [hbm4b:s22+s2], $0x80, v7, vm0, $0xb8;
	[tilespmem:$0x1A200] =	vst v63  }
0xf4: {  	s8 =	simm.s32 $0x18200  }
0xf5: {  	[tilespmem:s8], [sflag:$0x1] =	stream.indirect_vreg.gather [hbm4b:s23+s2], $0x80, v7, vm0, $0xb8;
	[tilespmem:$0x1A200] =	vst v63  }
0xf6: {  	s8 =	simm.s32 $0x18A00  }
0xf7: {  	[tilespmem:s8], [sflag:$0x1] =	stream.indirect_vreg.gather [hbm4b:s4+s2], $0x80, v6, vm0, $0xb8;
	[tilespmem:$0x1A200] =	vst v63  }
0xf8: {  	s8 =	simm.s32 $0x19200  }
0xf9: {  	[tilespmem:s8], [sflag:$0x1] =	stream.indirect_vreg.gather [hbm4b:s22+s2], $0x80, v6, vm0, $0xb8;
	[tilespmem:$0x1A200] =	vst v63  }
0xfa: {  	s8 =	simm.s32 $0x19A00  }
0xfb: {  	[tilespmem:s8], [sflag:$0x1] =	stream.indirect_vreg.gather [hbm4b:s23+s2], $0x80, v6, vm0, $0xb8;
	[tilespmem:$0x1A200] =	vst v63  }
0xfc: {  	s8 =	rddreg [dreg:$0xc]  }
0xfd: {  	[hbm4b:s8+s2] =	stream.linear.scatter [tilespmem:s0], [sflag:$0x2], $0xC000, $0x38;
	[tilespmem:$0x1A200] =	vst v63  }
0xfe: {  	_ =	swait.ge [sflag:s1], $0xC000  }
0xff: {  	[sflag:s1] =	ssyncset.done $0x0  }
0x100: {  	[sflag:s1] =	ssyncadd.s32 $0xFFFF4000  }
0x101: {  	_ =	swait.ge [sflag:s6], $0xC000  }
0x102: {  	[sflag:s6] =	ssyncset.done $0x0  }
0x103: {  	s8 =	rddreg [dreg:$0x6];
	[sflag:s6] =	ssyncadd.s32 $0xFFFF4000  }
0x104: {  	v6 =	vld [tilespmem:s8+$0x1000];
	_ =	sdelay $0x4  }
0x105: {  	v7 =	vadd.s32 v0, v6  }
0x106: {  	[tilespmem:$0x2180] =	vst v7  }
0x107: {  	v52 =	vld [tilespmem:s3+$0x1090];
	_ =	sdelay $0x4  }
0x108: {  	v8 =	vadd.s32 v0, v52  }
0x109: {  	[tilespmem:$0x2190] =	vst v8  }
0x10a: {  	v8 =	vld [tilespmem:s3+$0x10A0];
	_ =	sdelay $0x2  }
0x10b: {  	v7 =	vshrl.u32 v7, $0x3  }
0x10c: {  	v7 =	vmul.u32 $0x30, v7  }
0x10d: {  	v6 =	vand.u32 $0x7, v6;
	v8 =	vadd.s32 v0, v8  }
0x10e: {  	v6 =	vor.u32 v6, v7;
	[tilespmem:$0x21A0] =	vst v8  }
0x10f: {  	v53 =	vperm.xlane v6, v3;
	v7 =	vld [tilespmem:s3+$0x10B0];
	_ =	sdelay $0x1  }
0x110: {  	v8 =	vadd.s32 v4, v53;
	_ =	sdelay $0x2  }
0x111: {  	v7 =	vadd.s32 v0, v7  }
0x112: {  	v6 =	vperm.xlane v6, v5;
	[tilespmem:$0x21B0] =	vst v7  }
0x113: {  	[tilespmem:s0], [sflag:$0x1] =	stream.indirect_vreg.gather [hbm4b:s4+s2], $0x80, v8, vm0, $0xb8;
	[tilespmem:$0x1A200] =	vst v63  }
0x114: {  	s31 =	simm.s32 $0x2A00;
	v6 =	vadd.s32 v4, v6  }
0x115: {  	[tilespmem:s31], [sflag:$0x1] =	stream.indirect_vreg.gather [hbm4b:s22+s2], $0x80, v8, vm0, $0xb8;
	[tilespmem:$0x1A200] =	vst v63  }
0x116: {  	s31 =	simm.s32 $0x3200  }
0x117: {  	[tilespmem:s31], [sflag:$0x1] =	stream.indirect_vreg.gather [hbm4b:s23+s2], $0x80, v8, vm0, $0xb8;
	[tilespmem:$0x1A200] =	vst v63  }
0x118: {  	s31 =	simm.s32 $0x3A00  }
0x119: {  	[tilespmem:s31], [sflag:$0x1] =	stream.indirect_vreg.gather [hbm4b:s4+s2], $0x80, v6, vm0, $0xb8;
	[tilespmem:$0x1A200] =	vst v63  }
0x11a: {  	s31 =	simm.s32 $0x4200  }
0x11b: {  	[tilespmem:s31], [sflag:$0x1] =	stream.indirect_vreg.gather [hbm4b:s22+s2], $0x80, v6, vm0, $0xb8;
	[tilespmem:$0x1A200] =	vst v63  }
0x11c: {  	s9 =	simm.s32 $0x4A00  }
0x11d: {  	[tilespmem:s9], [sflag:$0x1] =	stream.indirect_vreg.gather [hbm4b:s23+s2], $0x80, v6, vm0, $0xb8;
	[tilespmem:$0x1A200] =	vst v63  }
0x11e: {  	v6 =	vld [tilespmem:$0x2190];
	_ =	sdelay $0x4  }
0x11f: {  	v7 =	vshrl.u32 v6, $0x3  }
0x120: {  	v7 =	vmul.u32 $0x30, v7  }
0x121: {  	v6 =	vand.u32 $0x7, v6  }
0x122: {  	v6 =	vor.u32 v6, v7  }
0x123: {  	v7 =	vperm.xlane v6, v3;
	_ =	sdelay $0x1  }
0x124: {  	v7 =	vadd.s32 v4, v7;
	_ =	sdelay $0x3  }
0x125: {  	s10 =	simm.s32 $0x5200;
	v6 =	vperm.xlane v6, v5  }
0x126: {  	[tilespmem:s10], [sflag:$0x1] =	stream.indirect_vreg.gather [hbm4b:s4+s2], $0x80, v7, vm0, $0xb8;
	[tilespmem:$0x1A200] =	vst v63  }
0x127: {  	s31 =	simm.s32 $0x5A00;
	v6 =	vadd.s32 v4, v6  }
0x128: {  	[tilespmem:s31], [sflag:$0x1] =	stream.indirect_vreg.gather [hbm4b:s22+s2], $0x80, v7, vm0, $0xb8;
	[tilespmem:$0x1A200] =	vst v63  }
0x129: {  	s9 =	simm.s32 $0x6200  }
0x12a: {  	[tilespmem:s9], [sflag:$0x1] =	stream.indirect_vreg.gather [hbm4b:s23+s2], $0x80, v7, vm0, $0xb8;
	[tilespmem:$0x1A200] =	vst v63  }
0x12b: {  	s10 =	simm.s32 $0x6A00  }
0x12c: {  	[tilespmem:s10], [sflag:$0x1] =	stream.indirect_vreg.gather [hbm4b:s4+s2], $0x80, v6, vm0, $0xb8;
	[tilespmem:$0x1A200] =	vst v63  }
0x12d: {  	s17 =	simm.s32 $0x7200  }
0x12e: {  	[tilespmem:s17], [sflag:$0x1] =	stream.indirect_vreg.gather [hbm4b:s22+s2], $0x80, v6, vm0, $0xb8;
	[tilespmem:$0x1A200] =	vst v63  }
0x12f: {  	s11 =	simm.s32 $0x7A00  }
0x130: {  	[tilespmem:s11], [sflag:$0x1] =	stream.indirect_vreg.gather [hbm4b:s23+s2], $0x80, v6, vm0, $0xb8;
	[tilespmem:$0x1A200] =	vst v63  }
0x131: {  	v6 =	vld [tilespmem:$0x21A0];
	_ =	sdelay $0x4  }
0x132: {  	v7 =	vshrl.u32 v6, $0x3  }
0x133: {  	v7 =	vmul.u32 $0x30, v7  }
0x134: {  	v6 =	vand.u32 $0x7, v6  }
0x135: {  	v6 =	vor.u32 v6, v7  }
0x136: {  	v7 =	vperm.xlane v6, v3;
	_ =	sdelay $0x1  }
0x137: {  	v7 =	vadd.s32 v4, v7;
	_ =	sdelay $0x3  }
0x138: {  	s12 =	simm.s32 $0x8200;
	v6 =	vperm.xlane v6, v5  }
0x139: {  	[tilespmem:s12], [sflag:$0x1] =	stream.indirect_vreg.gather [hbm4b:s4+s2], $0x80, v7, vm0, $0xb8;
	[tilespmem:$0x1A200] =	vst v63  }
0x13a: {  	s18 =	simm.s32 $0x8A00;
	v6 =	vadd.s32 v4, v6  }
0x13b: {  	[tilespmem:s18], [sflag:$0x1] =	stream.indirect_vreg.gather [hbm4b:s22+s2], $0x80, v7, vm0, $0xb8;
	[tilespmem:$0x1A200] =	vst v63  }
0x13c: {  	s19 =	simm.s32 $0x9200  }
0x13d: {  	[tilespmem:s19], [sflag:$0x1] =	stream.indirect_vreg.gather [hbm4b:s23+s2], $0x80, v7, vm0, $0xb8;
	[tilespmem:$0x1A200] =	vst v63  }
0x13e: {  	s20 =	simm.s32 $0x9A00  }
0x13f: {  	[tilespmem:s20], [sflag:$0x1] =	stream.indirect_vreg.gather [hbm4b:s4+s2], $0x80, v6, vm0, $0xb8;
	[tilespmem:$0x1A200] =	vst v63  }
0x140: {  	s21 =	simm.s32 $0xA200  }
0x141: {  	[tilespmem:s21], [sflag:$0x1] =	stream.indirect_vreg.gather [hbm4b:s22+s2], $0x80, v6, vm0, $0xb8;
	[tilespmem:$0x1A200] =	vst v63  }
0x142: {  	s13 =	simm.s32 $0xAA00  }
0x143: {  	[tilespmem:s13], [sflag:$0x1] =	stream.indirect_vreg.gather [hbm4b:s23+s2], $0x80, v6, vm0, $0xb8;
	[tilespmem:$0x1A200] =	vst v63  }
0x144: {  	v6 =	vld [tilespmem:$0x21B0];
	_ =	sdelay $0x4  }
0x145: {  	v7 =	vshrl.u32 v6, $0x3  }
0x146: {  	v7 =	vmul.u32 $0x30, v7  }
0x147: {  	v6 =	vand.u32 $0x7, v6  }
0x148: {  	v6 =	vor.u32 v6, v7  }
0x149: {  	v7 =	vperm.xlane v6, v3;
	_ =	sdelay $0x1  }
0x14a: {  	v7 =	vadd.s32 v4, v7;
	_ =	sdelay $0x3  }
0x14b: {  	s15 =	simm.s32 $0xB200;
	v6 =	vperm.xlane v6, v5  }
0x14c: {  	[tilespmem:s15], [sflag:$0x1] =	stream.indirect_vreg.gather [hbm4b:s4+s2], $0x80, v7, vm0, $0xb8;
	[tilespmem:$0x1A200] =	vst v63  }
0x14d: {  	s24 =	simm.s32 $0xBA00;
	v6 =	vadd.s32 v4, v6  }
0x14e: {  	[tilespmem:s24], [sflag:$0x1] =	stream.indirect_vreg.gather [hbm4b:s22+s2], $0x80, v7, vm0, $0xb8;
	[tilespmem:$0x1A200] =	vst v63  }
0x14f: {  	s26 =	simm.s32 $0xC200  }
0x150: {  	[tilespmem:s26], [sflag:$0x1] =	stream.indirect_vreg.gather [hbm4b:s23+s2], $0x80, v7, vm0, $0xb8;
	[tilespmem:$0x1A200] =	vst v63  }
0x151: {  	s28 =	simm.s32 $0xCA00  }
0x152: {  	[tilespmem:s28], [sflag:$0x1] =	stream.indirect_vreg.gather [hbm4b:s4+s2], $0x80, v6, vm0, $0xb8;
	[tilespmem:$0x1A200] =	vst v63  }
0x153: {  	s30 =	simm.s32 $0xD200  }
0x154: {  	[tilespmem:s30], [sflag:$0x1] =	stream.indirect_vreg.gather [hbm4b:s22+s2], $0x80, v6, vm0, $0xb8;
	[tilespmem:$0x1A200] =	vst v63  }
0x155: {  	s16 =	simm.s32 $0xDA00  }
0x156: {  	[tilespmem:s16], [sflag:$0x1] =	stream.indirect_vreg.gather [hbm4b:s23+s2], $0x80, v6, vm0, $0xb8;
	[tilespmem:$0x1A200] =	vst v63  }
0x157: {  	s26 =	rddreg [dreg:$0x17]  }
0x158: {  	[hbm4b:s26+s2] =	stream.linear.scatter [tilespmem:s29], [sflag:$0x3], $0xC000, $0x38;
	[tilespmem:$0x1A200] =	vst v63  }
0x159: {  	_ =	swait.ge [sflag:s1], $0xC000  }
0x15a: {  	[sflag:s1] =	ssyncset.done $0x0  }
0x15b: {  	[sflag:s1] =	ssyncadd.s32 $0xFFFF4000  }
0x15c: {  	_ =	swait.ge [sflag:s7], $0xC000  }
0x15d: {  	[sflag:s7] =	ssyncset.done $0x0  }
0x15e: {  	s28 =	rddreg [dreg:$0x7];
	[sflag:s7] =	ssyncadd.s32 $0xFFFF4000  }
0x15f: {  	v6 =	vld [tilespmem:s28+$0x1000];
	_ =	sdelay $0x4  }
0x160: {  	v7 =	vadd.s32 v0, v6  }
0x161: {  	[tilespmem:$0x21C0] =	vst v7  }
0x162: {  	v54 =	vld [tilespmem:s3+$0x10D0];
	_ =	sdelay $0x4  }
0x163: {  	v8 =	vadd.s32 v0, v54  }
0x164: {  	[tilespmem:$0x21D0] =	vst v8  }
0x165: {  	v8 =	vld [tilespmem:s3+$0x10E0];
	_ =	sdelay $0x2  }
0x166: {  	v7 =	vshrl.u32 v7, $0x3  }
0x167: {  	v7 =	vmul.u32 $0x30, v7  }
0x168: {  	v6 =	vand.u32 $0x7, v6;
	v8 =	vadd.s32 v0, v8  }
0x169: {  	v6 =	vor.u32 v6, v7;
	[tilespmem:$0x21E0] =	vst v8  }
0x16a: {  	v55 =	vperm.xlane v6, v3;
	v7 =	vld [tilespmem:s3+$0x10F0];
	_ =	sdelay $0x1  }
0x16b: {  	v8 =	vadd.s32 v4, v55;
	_ =	sdelay $0x2  }
0x16c: {  	v7 =	vadd.s32 v0, v7  }
0x16d: {  	v6 =	vperm.xlane v6, v5;
	[tilespmem:$0x21F0] =	vst v7  }
0x16e: {  	[tilespmem:s29], [sflag:$0x1] =	stream.indirect_vreg.gather [hbm4b:s4+s2], $0x80, v8, vm0, $0xb8;
	[tilespmem:$0x1A200] =	vst v63  }
0x16f: {  	s30 =	simm.s32 $0xEA00;
	v6 =	vadd.s32 v4, v6  }
0x170: {  	[tilespmem:s30], [sflag:$0x1] =	stream.indirect_vreg.gather [hbm4b:s22+s2], $0x80, v8, vm0, $0xb8;
	[tilespmem:$0x1A200] =	vst v63  }
0x171: {  	s31 =	simm.s32 $0xF200  }
0x172: {  	[tilespmem:s31], [sflag:$0x1] =	stream.indirect_vreg.gather [hbm4b:s23+s2], $0x80, v8, vm0, $0xb8;
	[tilespmem:$0x1A200] =	vst v63  }
0x173: {  	s10 =	simm.s32 $0xFA00  }
0x174: {  	[tilespmem:s10], [sflag:$0x1] =	stream.indirect_vreg.gather [hbm4b:s4+s2], $0x80, v6, vm0, $0xb8;
	[tilespmem:$0x1A200] =	vst v63  }
0x175: {  	s11 =	simm.s32 $0x10200  }
0x176: {  	[tilespmem:s11], [sflag:$0x1] =	stream.indirect_vreg.gather [hbm4b:s22+s2], $0x80, v6, vm0, $0xb8;
	[tilespmem:$0x1A200] =	vst v63  }
0x177: {  	s12 =	simm.s32 $0x10A00  }
0x178: {  	[tilespmem:s12], [sflag:$0x1] =	stream.indirect_vreg.gather [hbm4b:s23+s2], $0x80, v6, vm0, $0xb8;
	[tilespmem:$0x1A200] =	vst v63  }
0x179: {  	v6 =	vld [tilespmem:$0x21D0];
	_ =	sdelay $0x4  }
0x17a: {  	v7 =	vshrl.u32 v6, $0x3  }
0x17b: {  	v7 =	vmul.u32 $0x30, v7  }
0x17c: {  	v6 =	vand.u32 $0x7, v6  }
0x17d: {  	v6 =	vor.u32 v6, v7  }
0x17e: {  	v7 =	vperm.xlane v6, v3;
	_ =	sdelay $0x1  }
0x17f: {  	v7 =	vadd.s32 v4, v7;
	_ =	sdelay $0x3  }
0x180: {  	s13 =	simm.s32 $0x11200;
	v6 =	vperm.xlane v6, v5  }
0x181: {  	[tilespmem:s13], [sflag:$0x1] =	stream.indirect_vreg.gather [hbm4b:s4+s2], $0x80, v7, vm0, $0xb8;
	[tilespmem:$0x1A200] =	vst v63  }
0x182: {  	s15 =	simm.s32 $0x11A00;
	v6 =	vadd.s32 v4, v6  }
0x183: {  	[tilespmem:s15], [sflag:$0x1] =	stream.indirect_vreg.gather [hbm4b:s22+s2], $0x80, v7, vm0, $0xb8;
	[tilespmem:$0x1A200] =	vst v63  }
0x184: {  	s16 =	simm.s32 $0x12200  }
0x185: {  	[tilespmem:s16], [sflag:$0x1] =	stream.indirect_vreg.gather [hbm4b:s23+s2], $0x80, v7, vm0, $0xb8;
	[tilespmem:$0x1A200] =	vst v63  }
0x186: {  	s17 =	simm.s32 $0x12A00  }
0x187: {  	[tilespmem:s17], [sflag:$0x1] =	stream.indirect_vreg.gather [hbm4b:s4+s2], $0x80, v6, vm0, $0xb8;
	[tilespmem:$0x1A200] =	vst v63  }
0x188: {  	s18 =	simm.s32 $0x13200  }
0x189: {  	[tilespmem:s18], [sflag:$0x1] =	stream.indirect_vreg.gather [hbm4b:s22+s2], $0x80, v6, vm0, $0xb8;
	[tilespmem:$0x1A200] =	vst v63  }
0x18a: {  	s20 =	simm.s32 $0x13A00  }
0x18b: {  	[tilespmem:s20], [sflag:$0x1] =	stream.indirect_vreg.gather [hbm4b:s23+s2], $0x80, v6, vm0, $0xb8;
	[tilespmem:$0x1A200] =	vst v63  }
0x18c: {  	v6 =	vld [tilespmem:$0x21E0];
	_ =	sdelay $0x4  }
0x18d: {  	v7 =	vshrl.u32 v6, $0x3  }
0x18e: {  	v7 =	vmul.u32 $0x30, v7  }
0x18f: {  	v6 =	vand.u32 $0x7, v6  }
0x190: {  	v6 =	vor.u32 v6, v7  }
0x191: {  	v7 =	vperm.xlane v6, v3;
	_ =	sdelay $0x1  }
0x192: {  	v7 =	vadd.s32 v4, v7;
	_ =	sdelay $0x3  }
0x193: {  	s21 =	simm.s32 $0x14200;
	v6 =	vperm.xlane v6, v5  }
0x194: {  	[tilespmem:s21], [sflag:$0x1] =	stream.indirect_vreg.gather [hbm4b:s4+s2], $0x80, v7, vm0, $0xb8;
	[tilespmem:$0x1A200] =	vst v63  }
0x195: {  	s24 =	simm.s32 $0x14A00;
	v6 =	vadd.s32 v4, v6  }
0x196: {  	[tilespmem:s24], [sflag:$0x1] =	stream.indirect_vreg.gather [hbm4b:s22+s2], $0x80, v7, vm0, $0xb8;
	[tilespmem:$0x1A200] =	vst v63  }
0x197: {  	s26 =	simm.s32 $0x15200  }
0x198: {  	[tilespmem:s26], [sflag:$0x1] =	stream.indirect_vreg.gather [hbm4b:s23+s2], $0x80, v7, vm0, $0xb8;
	[tilespmem:$0x1A200] =	vst v63  }
0x199: {  	s28 =	simm.s32 $0x15A00  }
0x19a: {  	[tilespmem:s28], [sflag:$0x1] =	stream.indirect_vreg.gather [hbm4b:s4+s2], $0x80, v6, vm0, $0xb8;
	[tilespmem:$0x1A200] =	vst v63  }
0x19b: {  	s30 =	simm.s32 $0x16200  }
0x19c: {  	[tilespmem:s30], [sflag:$0x1] =	stream.indirect_vreg.gather [hbm4b:s22+s2], $0x80, v6, vm0, $0xb8;
	[tilespmem:$0x1A200] =	vst v63  }
0x19d: {  	s20 =	simm.s32 $0x16A00  }
0x19e: {  	[tilespmem:s20], [sflag:$0x1] =	stream.indirect_vreg.gather [hbm4b:s23+s2], $0x80, v6, vm0, $0xb8;
	[tilespmem:$0x1A200] =	vst v63  }
0x19f: {  	v6 =	vld [tilespmem:$0x21F0];
	_ =	sdelay $0x4  }
0x1a0: {  	v7 =	vshrl.u32 v6, $0x3  }
0x1a1: {  	v7 =	vmul.u32 $0x30, v7  }
0x1a2: {  	v6 =	vand.u32 $0x7, v6  }
0x1a3: {  	v6 =	vor.u32 v6, v7  }
0x1a4: {  	v7 =	vperm.xlane v6, v3;
	_ =	sdelay $0x1  }
0x1a5: {  	v7 =	vadd.s32 v4, v7;
	_ =	sdelay $0x3  }
0x1a6: {  	s26 =	simm.s32 $0x17200;
	v6 =	vperm.xlane v6, v5  }
0x1a7: {  	[tilespmem:s26], [sflag:$0x1] =	stream.indirect_vreg.gather [hbm4b:s4+s2], $0x80, v7, vm0, $0xb8;
	[tilespmem:$0x1A200] =	vst v63  }
0x1a8: {  	s28 =	simm.s32 $0x17A00;
	v6 =	vadd.s32 v4, v6  }
0x1a9: {  	[tilespmem:s28], [sflag:$0x1] =	stream.indirect_vreg.gather [hbm4b:s22+s2], $0x80, v7, vm0, $0xb8;
	[tilespmem:$0x1A200] =	vst v63  }
0x1aa: {  	s30 =	simm.s32 $0x18200  }
0x1ab: {  	[tilespmem:s30], [sflag:$0x1] =	stream.indirect_vreg.gather [hbm4b:s23+s2], $0x80, v7, vm0, $0xb8;
	[tilespmem:$0x1A200] =	vst v63  }
0x1ac: {  	s20 =	simm.s32 $0x18A00  }
0x1ad: {  	[tilespmem:s20], [sflag:$0x1] =	stream.indirect_vreg.gather [hbm4b:s4+s2], $0x80, v6, vm0, $0xb8;
	[tilespmem:$0x1A200] =	vst v63  }
0x1ae: {  	s30 =	simm.s32 $0x19200  }
0x1af: {  	[tilespmem:s30], [sflag:$0x1] =	stream.indirect_vreg.gather [hbm4b:s22+s2], $0x80, v6, vm0, $0xb8;
	[tilespmem:$0x1A200] =	vst v63  }
0x1b0: {  	s8 =	simm.s32 $0x19A00  }
0x1b1: {  	[tilespmem:s8], [sflag:$0x1] =	stream.indirect_vreg.gather [hbm4b:s23+s2], $0x80, v6, vm0, $0xb8;
	[tilespmem:$0x1A200] =	vst v63  }
0x1b2: {  	s8 =	rddreg [dreg:$0xd]  }
0x1b3: {  	[hbm4b:s8+s2] =	stream.linear.scatter [tilespmem:s0], [sflag:$0x2], $0xC000, $0x38;
	[tilespmem:$0x1A200] =	vst v63  }
0x1b4: {  	_ =	swait.ge [sflag:s1], $0xC000  }
0x1b5: {  	[sflag:s1] =	ssyncset.done $0x0  }
0x1b6: {  	[sflag:s1] =	ssyncadd.s32 $0xFFFF4000  }
0x1b7: {  	_ =	swait.ge [sflag:s6], $0xC000  }
0x1b8: {  	[sflag:s6] =	ssyncset.done $0x0  }
0x1b9: {  	s8 =	rddreg [dreg:$0x8];
	[sflag:s6] =	ssyncadd.s32 $0xFFFF4000  }
0x1ba: {  	v6 =	vld [tilespmem:s8+$0x1000];
	_ =	sdelay $0x4  }
0x1bb: {  	v7 =	vadd.s32 v0, v6  }
0x1bc: {  	[tilespmem:$0x2180] =	vst v7  }
0x1bd: {  	v56 =	vld [tilespmem:s3+$0x1110];
	_ =	sdelay $0x4  }
0x1be: {  	v8 =	vadd.s32 v0, v56  }
0x1bf: {  	[tilespmem:$0x2190] =	vst v8  }
0x1c0: {  	v8 =	vld [tilespmem:s3+$0x1120];
	_ =	sdelay $0x2  }
0x1c1: {  	v7 =	vshrl.u32 v7, $0x3  }
0x1c2: {  	v7 =	vmul.u32 $0x30, v7  }
0x1c3: {  	v6 =	vand.u32 $0x7, v6;
	v8 =	vadd.s32 v0, v8  }
0x1c4: {  	v6 =	vor.u32 v6, v7;
	[tilespmem:$0x21A0] =	vst v8  }
0x1c5: {  	v57 =	vperm.xlane v6, v3;
	v7 =	vld [tilespmem:s3+$0x1130];
	_ =	sdelay $0x1  }
0x1c6: {  	v8 =	vadd.s32 v4, v57;
	_ =	sdelay $0x2  }
0x1c7: {  	v7 =	vadd.s32 v0, v7  }
0x1c8: {  	v6 =	vperm.xlane v6, v5;
	[tilespmem:$0x21B0] =	vst v7  }
0x1c9: {  	[tilespmem:s0], [sflag:$0x1] =	stream.indirect_vreg.gather [hbm4b:s4+s2], $0x80, v8, vm0, $0xb8;
	[tilespmem:$0x1A200] =	vst v63  }
0x1ca: {  	s8 =	simm.s32 $0x2A00;
	v6 =	vadd.s32 v4, v6  }
0x1cb: {  	[tilespmem:s8], [sflag:$0x1] =	stream.indirect_vreg.gather [hbm4b:s22+s2], $0x80, v8, vm0, $0xb8;
	[tilespmem:$0x1A200] =	vst v63  }
0x1cc: {  	s8 =	simm.s32 $0x3200  }
0x1cd: {  	[tilespmem:s8], [sflag:$0x1] =	stream.indirect_vreg.gather [hbm4b:s23+s2], $0x80, v8, vm0, $0xb8;
	[tilespmem:$0x1A200] =	vst v63  }
0x1ce: {  	s8 =	simm.s32 $0x3A00  }
0x1cf: {  	[tilespmem:s8], [sflag:$0x1] =	stream.indirect_vreg.gather [hbm4b:s4+s2], $0x80, v6, vm0, $0xb8;
	[tilespmem:$0x1A200] =	vst v63  }
0x1d0: {  	s8 =	simm.s32 $0x4200  }
0x1d1: {  	[tilespmem:s8], [sflag:$0x1] =	stream.indirect_vreg.gather [hbm4b:s22+s2], $0x80, v6, vm0, $0xb8;
	[tilespmem:$0x1A200] =	vst v63  }
0x1d2: {  	s8 =	simm.s32 $0x4A00  }
0x1d3: {  	[tilespmem:s8], [sflag:$0x1] =	stream.indirect_vreg.gather [hbm4b:s23+s2], $0x80, v6, vm0, $0xb8;
	[tilespmem:$0x1A200] =	vst v63  }
0x1d4: {  	v6 =	vld [tilespmem:$0x2190];
	_ =	sdelay $0x4  }
0x1d5: {  	v7 =	vshrl.u32 v6, $0x3  }
0x1d6: {  	v7 =	vmul.u32 $0x30, v7  }
0x1d7: {  	v6 =	vand.u32 $0x7, v6  }
0x1d8: {  	v6 =	vor.u32 v6, v7  }
0x1d9: {  	v7 =	vperm.xlane v6, v3;
	_ =	sdelay $0x1  }
0x1da: {  	v7 =	vadd.s32 v4, v7;
	_ =	sdelay $0x3  }
0x1db: {  	s8 =	simm.s32 $0x5200;
	v6 =	vperm.xlane v6, v5  }
0x1dc: {  	[tilespmem:s8], [sflag:$0x1] =	stream.indirect_vreg.gather [hbm4b:s4+s2], $0x80, v7, vm0, $0xb8;
	[tilespmem:$0x1A200] =	vst v63  }
0x1dd: {  	v6 =	vadd.s32 v4, v6;
	s8 =	simm.s32 $0x5A00  }
0x1de: {  	[tilespmem:s8], [sflag:$0x1] =	stream.indirect_vreg.gather [hbm4b:s22+s2], $0x80, v7, vm0, $0xb8;
	[tilespmem:$0x1A200] =	vst v63  }
0x1df: {  	s8 =	simm.s32 $0x6200  }
0x1e0: {  	[tilespmem:s8], [sflag:$0x1] =	stream.indirect_vreg.gather [hbm4b:s23+s2], $0x80, v7, vm0, $0xb8;
	[tilespmem:$0x1A200] =	vst v63  }
0x1e1: {  	s8 =	simm.s32 $0x6A00  }
0x1e2: {  	[tilespmem:s8], [sflag:$0x1] =	stream.indirect_vreg.gather [hbm4b:s4+s2], $0x80, v6, vm0, $0xb8;
	[tilespmem:$0x1A200] =	vst v63  }
0x1e3: {  	s8 =	simm.s32 $0x7200  }
0x1e4: {  	[tilespmem:s8], [sflag:$0x1] =	stream.indirect_vreg.gather [hbm4b:s22+s2], $0x80, v6, vm0, $0xb8;
	[tilespmem:$0x1A200] =	vst v63  }
0x1e5: {  	s8 =	simm.s32 $0x7A00  }
0x1e6: {  	[tilespmem:s8], [sflag:$0x1] =	stream.indirect_vreg.gather [hbm4b:s23+s2], $0x80, v6, vm0, $0xb8;
	[tilespmem:$0x1A200] =	vst v63  }
0x1e7: {  	v6 =	vld [tilespmem:$0x21A0];
	_ =	sdelay $0x4  }
0x1e8: {  	v7 =	vshrl.u32 v6, $0x3  }
0x1e9: {  	v7 =	vmul.u32 $0x30, v7  }
0x1ea: {  	v6 =	vand.u32 $0x7, v6  }
0x1eb: {  	v6 =	vor.u32 v6, v7  }
0x1ec: {  	v7 =	vperm.xlane v6, v3;
	_ =	sdelay $0x1  }
0x1ed: {  	v7 =	vadd.s32 v4, v7;
	_ =	sdelay $0x3  }
0x1ee: {  	s8 =	simm.s32 $0x8200;
	v6 =	vperm.xlane v6, v5  }
0x1ef: {  	[tilespmem:s8], [sflag:$0x1] =	stream.indirect_vreg.gather [hbm4b:s4+s2], $0x80, v7, vm0, $0xb8;
	[tilespmem:$0x1A200] =	vst v63  }
0x1f0: {  	v6 =	vadd.s32 v4, v6;
	s8 =	simm.s32 $0x8A00  }
0x1f1: {  	[tilespmem:s8], [sflag:$0x1] =	stream.indirect_vreg.gather [hbm4b:s22+s2], $0x80, v7, vm0, $0xb8;
	[tilespmem:$0x1A200] =	vst v63  }
0x1f2: {  	s8 =	simm.s32 $0x9200  }
0x1f3: {  	[tilespmem:s8], [sflag:$0x1] =	stream.indirect_vreg.gather [hbm4b:s23+s2], $0x80, v7, vm0, $0xb8;
	[tilespmem:$0x1A200] =	vst v63  }
0x1f4: {  	s8 =	simm.s32 $0x9A00  }
0x1f5: {  	[tilespmem:s8], [sflag:$0x1] =	stream.indirect_vreg.gather [hbm4b:s4+s2], $0x80, v6, vm0, $0xb8;
	[tilespmem:$0x1A200] =	vst v63  }
0x1f6: {  	s8 =	simm.s32 $0xA200  }
0x1f7: {  	[tilespmem:s8], [sflag:$0x1] =	stream.indirect_vreg.gather [hbm4b:s22+s2], $0x80, v6, vm0, $0xb8;
	[tilespmem:$0x1A200] =	vst v63  }
0x1f8: {  	s8 =	simm.s32 $0xAA00  }
0x1f9: {  	[tilespmem:s8], [sflag:$0x1] =	stream.indirect_vreg.gather [hbm4b:s23+s2], $0x80, v6, vm0, $0xb8;
	[tilespmem:$0x1A200] =	vst v63  }
0x1fa: {  	v6 =	vld [tilespmem:$0x21B0];
	_ =	sdelay $0x4  }
0x1fb: {  	v7 =	vshrl.u32 v6, $0x3  }
0x1fc: {  	v7 =	vmul.u32 $0x30, v7  }
0x1fd: {  	v6 =	vand.u32 $0x7, v6  }
0x1fe: {  	v6 =	vor.u32 v6, v7  }
0x1ff: {  	v7 =	vperm.xlane v6, v3;
	_ =	sdelay $0x1  }
0x200: {  	v7 =	vadd.s32 v4, v7;
	_ =	sdelay $0x3  }
0x201: {  	s8 =	simm.s32 $0xB200;
	v6 =	vperm.xlane v6, v5  }
0x202: {  	[tilespmem:s8], [sflag:$0x1] =	stream.indirect_vreg.gather [hbm4b:s4+s2], $0x80, v7, vm0, $0xb8;
	[tilespmem:$0x1A200] =	vst v63  }
0x203: {  	v6 =	vadd.s32 v4, v6;
	s8 =	simm.s32 $0xBA00  }
0x204: {  	[tilespmem:s8], [sflag:$0x1] =	stream.indirect_vreg.gather [hbm4b:s22+s2], $0x80, v7, vm0, $0xb8;
	[tilespmem:$0x1A200] =	vst v63  }
0x205: {  	s8 =	simm.s32 $0xC200  }
0x206: {  	[tilespmem:s8], [sflag:$0x1] =	stream.indirect_vreg.gather [hbm4b:s23+s2], $0x80, v7, vm0, $0xb8;
	[tilespmem:$0x1A200] =	vst v63  }
0x207: {  	s8 =	simm.s32 $0xCA00  }
0x208: {  	[tilespmem:s8], [sflag:$0x1] =	stream.indirect_vreg.gather [hbm4b:s4+s2], $0x80, v6, vm0, $0xb8;
	[tilespmem:$0x1A200] =	vst v63  }
0x209: {  	s8 =	simm.s32 $0xD200  }
0x20a: {  	[tilespmem:s8], [sflag:$0x1] =	stream.indirect_vreg.gather [hbm4b:s22+s2], $0x80, v6, vm0, $0xb8;
	[tilespmem:$0x1A200] =	vst v63  }
0x20b: {  	s8 =	simm.s32 $0xDA00  }
0x20c: {  	[tilespmem:s8], [sflag:$0x1] =	stream.indirect_vreg.gather [hbm4b:s23+s2], $0x80, v6, vm0, $0xb8;
	[tilespmem:$0x1A200] =	vst v63  }
0x20d: {  	s8 =	rddreg [dreg:$0xe]  }
0x20e: {  	[hbm4b:s8+s2] =	stream.linear.scatter [tilespmem:s29], [sflag:$0x3], $0xC000, $0x38;
	[tilespmem:$0x1A200] =	vst v63  }
0x20f: {  	_ =	swait.ge [sflag:s1], $0xC000  }
0x210: {  	[sflag:s1] =	ssyncset.done $0x0  }
0x211: {  	[sflag:s1] =	ssyncadd.s32 $0xFFFF4000  }
0x212: {  	_ =	swait.ge [sflag:s7], $0xC000  }
0x213: {  	[sflag:s7] =	ssyncset.done $0x0  }
0x214: {  	s8 =	rddreg [dreg:$0x9];
	[sflag:s7] =	ssyncadd.s32 $0xFFFF4000  }
0x215: {  	v6 =	vld [tilespmem:s8+$0x1000];
	_ =	sdelay $0x4  }
0x216: {  	v7 =	vadd.s32 v0, v6  }
0x217: {  	[tilespmem:$0x21C0] =	vst v7  }
0x218: {  	v58 =	vld [tilespmem:s3+$0x1150];
	_ =	sdelay $0x4  }
0x219: {  	v8 =	vadd.s32 v0, v58  }
0x21a: {  	[tilespmem:$0x21D0] =	vst v8  }
0x21b: {  	v8 =	vld [tilespmem:s3+$0x1160];
	_ =	sdelay $0x2  }
0x21c: {  	v7 =	vshrl.u32 v7, $0x3  }
0x21d: {  	v7 =	vmul.u32 $0x30, v7  }
0x21e: {  	v6 =	vand.u32 $0x7, v6;
	v8 =	vadd.s32 v0, v8  }
0x21f: {  	v6 =	vor.u32 v6, v7;
	[tilespmem:$0x21E0] =	vst v8  }
0x220: {  	v59 =	vperm.xlane v6, v3;
	v7 =	vld [tilespmem:s3+$0x1170];
	_ =	sdelay $0x1  }
0x221: {  	v8 =	vadd.s32 v4, v59;
	_ =	sdelay $0x2  }
0x222: {  	v7 =	vadd.s32 v0, v7  }
0x223: {  	v6 =	vperm.xlane v6, v5;
	[tilespmem:$0x21F0] =	vst v7  }
0x224: {  	[tilespmem:s29], [sflag:$0x1] =	stream.indirect_vreg.gather [hbm4b:s4+s2], $0x80, v8, vm0, $0xb8;
	[tilespmem:$0x1A200] =	vst v63  }
0x225: {  	s9 =	simm.s32 $0xEA00;
	v6 =	vadd.s32 v4, v6  }
0x226: {  	[tilespmem:s9], [sflag:$0x1] =	stream.indirect_vreg.gather [hbm4b:s22+s2], $0x80, v8, vm0, $0xb8;
	[tilespmem:$0x1A200] =	vst v63  }
0x227: {  	s19 =	simm.s32 $0xF200  }
0x228: {  	[tilespmem:s19], [sflag:$0x1] =	stream.indirect_vreg.gather [hbm4b:s23+s2], $0x80, v8, vm0, $0xb8;
	[tilespmem:$0x1A200] =	vst v63  }
0x229: {  	s10 =	simm.s32 $0xFA00  }
0x22a: {  	[tilespmem:s10], [sflag:$0x1] =	stream.indirect_vreg.gather [hbm4b:s4+s2], $0x80, v6, vm0, $0xb8;
	[tilespmem:$0x1A200] =	vst v63  }
0x22b: {  	s11 =	simm.s32 $0x10200  }
0x22c: {  	[tilespmem:s11], [sflag:$0x1] =	stream.indirect_vreg.gather [hbm4b:s22+s2], $0x80, v6, vm0, $0xb8;
	[tilespmem:$0x1A200] =	vst v63  }
0x22d: {  	s31 =	simm.s32 $0x10A00  }
0x22e: {  	[tilespmem:s31], [sflag:$0x1] =	stream.indirect_vreg.gather [hbm4b:s23+s2], $0x80, v6, vm0, $0xb8;
	[tilespmem:$0x1A200] =	vst v63  }
0x22f: {  	v6 =	vld [tilespmem:$0x21D0];
	_ =	sdelay $0x4  }
0x230: {  	v7 =	vshrl.u32 v6, $0x3  }
0x231: {  	v7 =	vmul.u32 $0x30, v7  }
0x232: {  	v6 =	vand.u32 $0x7, v6  }
0x233: {  	v6 =	vor.u32 v6, v7  }
0x234: {  	v7 =	vperm.xlane v6, v3;
	_ =	sdelay $0x1  }
0x235: {  	v7 =	vadd.s32 v4, v7;
	_ =	sdelay $0x3  }
0x236: {  	s8 =	simm.s32 $0x11200;
	v6 =	vperm.xlane v6, v5  }
0x237: {  	[tilespmem:s8], [sflag:$0x1] =	stream.indirect_vreg.gather [hbm4b:s4+s2], $0x80, v7, vm0, $0xb8;
	[tilespmem:$0x1A200] =	vst v63  }
0x238: {  	s12 =	simm.s32 $0x11A00;
	v6 =	vadd.s32 v4, v6  }
0x239: {  	[tilespmem:s12], [sflag:$0x1] =	stream.indirect_vreg.gather [hbm4b:s22+s2], $0x80, v7, vm0, $0xb8;
	[tilespmem:$0x1A200] =	vst v63  }
0x23a: {  	s13 =	simm.s32 $0x12200  }
0x23b: {  	[tilespmem:s13], [sflag:$0x1] =	stream.indirect_vreg.gather [hbm4b:s23+s2], $0x80, v7, vm0, $0xb8;
	[tilespmem:$0x1A200] =	vst v63  }
0x23c: {  	s15 =	simm.s32 $0x12A00  }
0x23d: {  	[tilespmem:s15], [sflag:$0x1] =	stream.indirect_vreg.gather [hbm4b:s4+s2], $0x80, v6, vm0, $0xb8;
	[tilespmem:$0x1A200] =	vst v63  }
0x23e: {  	s16 =	simm.s32 $0x13200  }
0x23f: {  	[tilespmem:s16], [sflag:$0x1] =	stream.indirect_vreg.gather [hbm4b:s22+s2], $0x80, v6, vm0, $0xb8;
	[tilespmem:$0x1A200] =	vst v63  }
0x240: {  	s8 =	simm.s32 $0x13A00  }
0x241: {  	[tilespmem:s8], [sflag:$0x1] =	stream.indirect_vreg.gather [hbm4b:s23+s2], $0x80, v6, vm0, $0xb8;
	[tilespmem:$0x1A200] =	vst v63  }
0x242: {  	v6 =	vld [tilespmem:$0x21E0];
	_ =	sdelay $0x4  }
0x243: {  	v7 =	vshrl.u32 v6, $0x3  }
0x244: {  	v7 =	vmul.u32 $0x30, v7  }
0x245: {  	v6 =	vand.u32 $0x7, v6  }
0x246: {  	v6 =	vor.u32 v6, v7  }
0x247: {  	v7 =	vperm.xlane v6, v3;
	_ =	sdelay $0x1  }
0x248: {  	v7 =	vadd.s32 v4, v7;
	_ =	sdelay $0x3  }
0x249: {  	s8 =	simm.s32 $0x14200;
	v6 =	vperm.xlane v6, v5  }
0x24a: {  	[tilespmem:s8], [sflag:$0x1] =	stream.indirect_vreg.gather [hbm4b:s4+s2], $0x80, v7, vm0, $0xb8;
	[tilespmem:$0x1A200] =	vst v63  }
0x24b: {  	s18 =	simm.s32 $0x14A00;
	v6 =	vadd.s32 v4, v6  }
0x24c: {  	[tilespmem:s18], [sflag:$0x1] =	stream.indirect_vreg.gather [hbm4b:s22+s2], $0x80, v7, vm0, $0xb8;
	[tilespmem:$0x1A200] =	vst v63  }
0x24d: {  	s17 =	simm.s32 $0x15200  }
0x24e: {  	[tilespmem:s17], [sflag:$0x1] =	stream.indirect_vreg.gather [hbm4b:s23+s2], $0x80, v7, vm0, $0xb8;
	[tilespmem:$0x1A200] =	vst v63  }
0x24f: {  	s21 =	simm.s32 $0x15A00  }
0x250: {  	[tilespmem:s21], [sflag:$0x1] =	stream.indirect_vreg.gather [hbm4b:s4+s2], $0x80, v6, vm0, $0xb8;
	[tilespmem:$0x1A200] =	vst v63  }
0x251: {  	s24 =	simm.s32 $0x16200  }
0x252: {  	[tilespmem:s24], [sflag:$0x1] =	stream.indirect_vreg.gather [hbm4b:s22+s2], $0x80, v6, vm0, $0xb8;
	[tilespmem:$0x1A200] =	vst v63  }
0x253: {  	s8 =	simm.s32 $0x16A00  }
0x254: {  	[tilespmem:s8], [sflag:$0x1] =	stream.indirect_vreg.gather [hbm4b:s23+s2], $0x80, v6, vm0, $0xb8;
	[tilespmem:$0x1A200] =	vst v63  }
0x255: {  	v6 =	vld [tilespmem:$0x21F0];
	_ =	sdelay $0x4  }
0x256: {  	v7 =	vshrl.u32 v6, $0x3  }
0x257: {  	v7 =	vmul.u32 $0x30, v7  }
0x258: {  	v6 =	vand.u32 $0x7, v6  }
0x259: {  	v6 =	vor.u32 v6, v7  }
0x25a: {  	v7 =	vperm.xlane v6, v3;
	_ =	sdelay $0x1  }
0x25b: {  	v7 =	vadd.s32 v4, v7;
	_ =	sdelay $0x3  }
0x25c: {  	s8 =	simm.s32 $0x17200;
	v6 =	vperm.xlane v6, v5  }
0x25d: {  	[tilespmem:s8], [sflag:$0x1] =	stream.indirect_vreg.gather [hbm4b:s4+s2], $0x80, v7, vm0, $0xb8;
	[tilespmem:$0x1A200] =	vst v63  }
0x25e: {  	s26 =	simm.s32 $0x17A00;
	v6 =	vadd.s32 v4, v6  }
0x25f: {  	[tilespmem:s26], [sflag:$0x1] =	stream.indirect_vreg.gather [hbm4b:s22+s2], $0x80, v7, vm0, $0xb8;
	[tilespmem:$0x1A200] =	vst v63  }
0x260: {  	s28 =	simm.s32 $0x18200  }
0x261: {  	[tilespmem:s28], [sflag:$0x1] =	stream.indirect_vreg.gather [hbm4b:s23+s2], $0x80, v7, vm0, $0xb8;
	[tilespmem:$0x1A200] =	vst v63  }
0x262: {  	s20 =	simm.s32 $0x18A00  }
0x263: {  	[tilespmem:s20], [sflag:$0x1] =	stream.indirect_vreg.gather [hbm4b:s4+s2], $0x80, v6, vm0, $0xb8;
	[tilespmem:$0x1A200] =	vst v63  }
0x264: {  	s30 =	simm.s32 $0x19200  }
0x265: {  	[tilespmem:s30], [sflag:$0x1] =	stream.indirect_vreg.gather [hbm4b:s22+s2], $0x80, v6, vm0, $0xb8;
	[tilespmem:$0x1A200] =	vst v63  }
0x266: {  	s8 =	simm.s32 $0x19A00  }
0x267: {  	[tilespmem:s8], [sflag:$0x1] =	stream.indirect_vreg.gather [hbm4b:s23+s2], $0x80, v6, vm0, $0xb8;
	[tilespmem:$0x1A200] =	vst v63  }
0x268: {  	s8 =	rddreg [dreg:$0xf]  }
0x269: {  	[hbm4b:s8+s2] =	stream.linear.scatter [tilespmem:s0], [sflag:$0x2], $0xC000, $0x38;
	[tilespmem:$0x1A200] =	vst v63  }
0x26a: {  	_ =	swait.ge [sflag:s1], $0xC000  }
0x26b: {  	[sflag:s1] =	ssyncset.done $0x0  }
0x26c: {  	[sflag:s1] =	ssyncadd.s32 $0xFFFF4000  }
0x26d: {  	_ =	swait.ge [sflag:s6], $0xC000  }
0x26e: {  	[sflag:s6] =	ssyncset.done $0x0  }
0x26f: {  	s8 =	rddreg [dreg:$0xa];
	[sflag:s6] =	ssyncadd.s32 $0xFFFF4000  }
0x270: {  	v6 =	vld [tilespmem:s8+$0x1000];
	_ =	sdelay $0x4  }
0x271: {  	v7 =	vadd.s32 v0, v6  }
0x272: {  	[tilespmem:$0x2180] =	vst v7  }
0x273: {  	v60 =	vld [tilespmem:s3+$0x1190];
	_ =	sdelay $0x4  }
0x274: {  	v8 =	vadd.s32 v0, v60  }
0x275: {  	[tilespmem:$0x2190] =	vst v8  }
0x276: {  	v8 =	vld [tilespmem:s3+$0x11A0];
	_ =	sdelay $0x2  }
0x277: {  	v7 =	vshrl.u32 v7, $0x3  }
0x278: {  	v7 =	vmul.u32 $0x30, v7  }
0x279: {  	v6 =	vand.u32 $0x7, v6;
	v8 =	vadd.s32 v0, v8  }
0x27a: {  	v6 =	vor.u32 v6, v7;
	[tilespmem:$0x21A0] =	vst v8  }
0x27b: {  	v61 =	vperm.xlane v6, v3;
	v7 =	vld [tilespmem:s3+$0x11B0];
	_ =	sdelay $0x1  }
0x27c: {  	v8 =	vadd.s32 v4, v61;
	_ =	sdelay $0x2  }
0x27d: {  	v7 =	vadd.s32 v0, v7  }
0x27e: {  	v6 =	vperm.xlane v6, v5;
	[tilespmem:$0x21B0] =	vst v7  }
0x27f: {  	[tilespmem:s0], [sflag:$0x1] =	stream.indirect_vreg.gather [hbm4b:s4+s2], $0x80, v8, vm0, $0xb8;
	[tilespmem:$0x1A200] =	vst v63  }
0x280: {  	s8 =	simm.s32 $0x2A00;
	v6 =	vadd.s32 v4, v6  }
0x281: {  	[tilespmem:s8], [sflag:$0x1] =	stream.indirect_vreg.gather [hbm4b:s22+s2], $0x80, v8, vm0, $0xb8;
	[tilespmem:$0x1A200] =	vst v63  }
0x282: {  	s8 =	simm.s32 $0x3200  }
0x283: {  	[tilespmem:s8], [sflag:$0x1] =	stream.indirect_vreg.gather [hbm4b:s23+s2], $0x80, v8, vm0, $0xb8;
	[tilespmem:$0x1A200] =	vst v63  }
0x284: {  	s8 =	simm.s32 $0x3A00  }
0x285: {  	[tilespmem:s8], [sflag:$0x1] =	stream.indirect_vreg.gather [hbm4b:s4+s2], $0x80, v6, vm0, $0xb8;
	[tilespmem:$0x1A200] =	vst v63  }
0x286: {  	s8 =	simm.s32 $0x4200  }
0x287: {  	[tilespmem:s8], [sflag:$0x1] =	stream.indirect_vreg.gather [hbm4b:s22+s2], $0x80, v6, vm0, $0xb8;
	[tilespmem:$0x1A200] =	vst v63  }
0x288: {  	s8 =	simm.s32 $0x4A00  }
0x289: {  	[tilespmem:s8], [sflag:$0x1] =	stream.indirect_vreg.gather [hbm4b:s23+s2], $0x80, v6, vm0, $0xb8;
	[tilespmem:$0x1A200] =	vst v63  }
0x28a: {  	v6 =	vld [tilespmem:$0x2190];
	_ =	sdelay $0x4  }
0x28b: {  	v7 =	vshrl.u32 v6, $0x3  }
0x28c: {  	v7 =	vmul.u32 $0x30, v7  }
0x28d: {  	v6 =	vand.u32 $0x7, v6  }
0x28e: {  	v6 =	vor.u32 v6, v7  }
0x28f: {  	v7 =	vperm.xlane v6, v3;
	_ =	sdelay $0x1  }
0x290: {  	v7 =	vadd.s32 v4, v7;
	_ =	sdelay $0x3  }
0x291: {  	s8 =	simm.s32 $0x5200;
	v6 =	vperm.xlane v6, v5  }
0x292: {  	[tilespmem:s8], [sflag:$0x1] =	stream.indirect_vreg.gather [hbm4b:s4+s2], $0x80, v7, vm0, $0xb8;
	[tilespmem:$0x1A200] =	vst v63  }
0x293: {  	v6 =	vadd.s32 v4, v6;
	s8 =	simm.s32 $0x5A00  }
0x294: {  	[tilespmem:s8], [sflag:$0x1] =	stream.indirect_vreg.gather [hbm4b:s22+s2], $0x80, v7, vm0, $0xb8;
	[tilespmem:$0x1A200] =	vst v63  }
0x295: {  	s8 =	simm.s32 $0x6200  }
0x296: {  	[tilespmem:s8], [sflag:$0x1] =	stream.indirect_vreg.gather [hbm4b:s23+s2], $0x80, v7, vm0, $0xb8;
	[tilespmem:$0x1A200] =	vst v63  }
0x297: {  	s8 =	simm.s32 $0x6A00  }
0x298: {  	[tilespmem:s8], [sflag:$0x1] =	stream.indirect_vreg.gather [hbm4b:s4+s2], $0x80, v6, vm0, $0xb8;
	[tilespmem:$0x1A200] =	vst v63  }
0x299: {  	s8 =	simm.s32 $0x7200  }
0x29a: {  	[tilespmem:s8], [sflag:$0x1] =	stream.indirect_vreg.gather [hbm4b:s22+s2], $0x80, v6, vm0, $0xb8;
	[tilespmem:$0x1A200] =	vst v63  }
0x29b: {  	s8 =	simm.s32 $0x7A00  }
0x29c: {  	[tilespmem:s8], [sflag:$0x1] =	stream.indirect_vreg.gather [hbm4b:s23+s2], $0x80, v6, vm0, $0xb8;
	[tilespmem:$0x1A200] =	vst v63  }
0x29d: {  	v6 =	vld [tilespmem:$0x21A0];
	_ =	sdelay $0x4  }
0x29e: {  	v7 =	vshrl.u32 v6, $0x3  }
0x29f: {  	v7 =	vmul.u32 $0x30, v7  }
0x2a0: {  	v6 =	vand.u32 $0x7, v6  }
0x2a1: {  	v6 =	vor.u32 v6, v7  }
0x2a2: {  	v7 =	vperm.xlane v6, v3;
	_ =	sdelay $0x1  }
0x2a3: {  	v7 =	vadd.s32 v4, v7;
	_ =	sdelay $0x3  }
0x2a4: {  	s8 =	simm.s32 $0x8200;
	v6 =	vperm.xlane v6, v5  }
0x2a5: {  	[tilespmem:s8], [sflag:$0x1] =	stream.indirect_vreg.gather [hbm4b:s4+s2], $0x80, v7, vm0, $0xb8;
	[tilespmem:$0x1A200] =	vst v63  }
0x2a6: {  	v6 =	vadd.s32 v4, v6;
	s8 =	simm.s32 $0x8A00  }
0x2a7: {  	[tilespmem:s8], [sflag:$0x1] =	stream.indirect_vreg.gather [hbm4b:s22+s2], $0x80, v7, vm0, $0xb8;
	[tilespmem:$0x1A200] =	vst v63  }
0x2a8: {  	s8 =	simm.s32 $0x9200  }
0x2a9: {  	[tilespmem:s8], [sflag:$0x1] =	stream.indirect_vreg.gather [hbm4b:s23+s2], $0x80, v7, vm0, $0xb8;
	[tilespmem:$0x1A200] =	vst v63  }
0x2aa: {  	s8 =	simm.s32 $0x9A00  }
0x2ab: {  	[tilespmem:s8], [sflag:$0x1] =	stream.indirect_vreg.gather [hbm4b:s4+s2], $0x80, v6, vm0, $0xb8;
	[tilespmem:$0x1A200] =	vst v63  }
0x2ac: {  	s8 =	simm.s32 $0xA200  }
0x2ad: {  	[tilespmem:s8], [sflag:$0x1] =	stream.indirect_vreg.gather [hbm4b:s22+s2], $0x80, v6, vm0, $0xb8;
	[tilespmem:$0x1A200] =	vst v63  }
0x2ae: {  	s8 =	simm.s32 $0xAA00  }
0x2af: {  	[tilespmem:s8], [sflag:$0x1] =	stream.indirect_vreg.gather [hbm4b:s23+s2], $0x80, v6, vm0, $0xb8;
	[tilespmem:$0x1A200] =	vst v63  }
0x2b0: {  	v6 =	vld [tilespmem:$0x21B0];
	_ =	sdelay $0x4  }
0x2b1: {  	v7 =	vshrl.u32 v6, $0x3  }
0x2b2: {  	v7 =	vmul.u32 $0x30, v7  }
0x2b3: {  	v6 =	vand.u32 $0x7, v6  }
0x2b4: {  	v6 =	vor.u32 v6, v7  }
0x2b5: {  	v7 =	vperm.xlane v6, v3;
	_ =	sdelay $0x1  }
0x2b6: {  	v7 =	vadd.s32 v4, v7;
	_ =	sdelay $0x3  }
0x2b7: {  	s8 =	simm.s32 $0xB200;
	v6 =	vperm.xlane v6, v5  }
0x2b8: {  	[tilespmem:s8], [sflag:$0x1] =	stream.indirect_vreg.gather [hbm4b:s4+s2], $0x80, v7, vm0, $0xb8;
	[tilespmem:$0x1A200] =	vst v63  }
0x2b9: {  	v6 =	vadd.s32 v4, v6;
	s8 =	simm.s32 $0xBA00  }
0x2ba: {  	[tilespmem:s8], [sflag:$0x1] =	stream.indirect_vreg.gather [hbm4b:s22+s2], $0x80, v7, vm0, $0xb8;
	[tilespmem:$0x1A200] =	vst v63  }
0x2bb: {  	s8 =	simm.s32 $0xC200  }
0x2bc: {  	[tilespmem:s8], [sflag:$0x1] =	stream.indirect_vreg.gather [hbm4b:s23+s2], $0x80, v7, vm0, $0xb8;
	[tilespmem:$0x1A200] =	vst v63  }
0x2bd: {  	s8 =	simm.s32 $0xCA00  }
0x2be: {  	[tilespmem:s8], [sflag:$0x1] =	stream.indirect_vreg.gather [hbm4b:s4+s2], $0x80, v6, vm0, $0xb8;
	[tilespmem:$0x1A200] =	vst v63  }
0x2bf: {  	s8 =	simm.s32 $0xD200  }
0x2c0: {  	[tilespmem:s8], [sflag:$0x1] =	stream.indirect_vreg.gather [hbm4b:s22+s2], $0x80, v6, vm0, $0xb8;
	[tilespmem:$0x1A200] =	vst v63  }
0x2c1: {  	s8 =	simm.s32 $0xDA00  }
0x2c2: {  	[tilespmem:s8], [sflag:$0x1] =	stream.indirect_vreg.gather [hbm4b:s23+s2], $0x80, v6, vm0, $0xb8;
	[tilespmem:$0x1A200] =	vst v63  }
0x2c3: {  	s8 =	rddreg [dreg:$0x10]  }
0x2c4: {  	[hbm4b:s8+s2] =	stream.linear.scatter [tilespmem:s29], [sflag:$0x3], $0xC000, $0x38;
	[tilespmem:$0x1A200] =	vst v63  }
0x2c5: {  	_ =	swait.ge [sflag:s1], $0xC000  }
0x2c6: {  	[sflag:s1] =	ssyncset.done $0x0  }
0x2c7: {  	[sflag:s1] =	ssyncadd.s32 $0xFFFF4000  }
0x2c8: {  	_ =	swait.ge [sflag:s7], $0xC000  }
0x2c9: {  	[sflag:s7] =	ssyncset.done $0x0  }
0x2ca: {  	s8 =	rddreg [dreg:$0xb];
	[sflag:s7] =	ssyncadd.s32 $0xFFFF4000  }
0x2cb: {  	v6 =	vld [tilespmem:s8+$0x1000];
	_ =	sdelay $0x4  }
0x2cc: {  	v7 =	vadd.s32 v0, v6  }
0x2cd: {  	[tilespmem:$0x21C0] =	vst v7  }
0x2ce: {  	v62 =	vld [tilespmem:s3+$0x11D0];
	_ =	sdelay $0x4  }
0x2cf: {  	v8 =	vadd.s32 v0, v62  }
0x2d0: {  	[tilespmem:$0x21D0] =	vst v8  }
0x2d1: {  	v8 =	vld [tilespmem:s3+$0x11E0];
	_ =	sdelay $0x2  }
0x2d2: {  	v7 =	vshrl.u32 v7, $0x3  }
0x2d3: {  	v7 =	vmul.u32 $0x30, v7  }
0x2d4: {  	v6 =	vand.u32 $0x7, v6;
	v8 =	vadd.s32 v0, v8  }
0x2d5: {  	v6 =	vor.u32 v6, v7;
	[tilespmem:$0x21E0] =	vst v8  }
0x2d6: {  	v63 =	vperm.xlane v6, v3;
	v7 =	vld [tilespmem:s3+$0x11F0];
	_ =	sdelay $0x1  }
0x2d7: {  	v8 =	vadd.s32 v4, v63;
	_ =	sdelay $0x2  }
0x2d8: {  	v7 =	vadd.s32 v0, v7  }
0x2d9: {  	v6 =	vperm.xlane v6, v5;
	[tilespmem:$0x21F0] =	vst v7  }
0x2da: {  	[tilespmem:s29], [sflag:$0x1] =	stream.indirect_vreg.gather [hbm4b:s4+s2], $0x80, v8, vm0, $0xb8;
	[tilespmem:$0x1A200] =	vst v63  }
0x2db: {  	s9 =	simm.s32 $0xEA00;
	v6 =	vadd.s32 v4, v6  }
0x2dc: {  	[tilespmem:s9], [sflag:$0x1] =	stream.indirect_vreg.gather [hbm4b:s22+s2], $0x80, v8, vm0, $0xb8;
	[tilespmem:$0x1A200] =	vst v63  }
0x2dd: {  	s19 =	simm.s32 $0xF200  }
0x2de: {  	[tilespmem:s19], [sflag:$0x1] =	stream.indirect_vreg.gather [hbm4b:s23+s2], $0x80, v8, vm0, $0xb8;
	[tilespmem:$0x1A200] =	vst v63  }
0x2df: {  	s10 =	simm.s32 $0xFA00  }
0x2e0: {  	[tilespmem:s10], [sflag:$0x1] =	stream.indirect_vreg.gather [hbm4b:s4+s2], $0x80, v6, vm0, $0xb8;
	[tilespmem:$0x1A200] =	vst v63  }
0x2e1: {  	s11 =	simm.s32 $0x10200  }
0x2e2: {  	[tilespmem:s11], [sflag:$0x1] =	stream.indirect_vreg.gather [hbm4b:s22+s2], $0x80, v6, vm0, $0xb8;
	[tilespmem:$0x1A200] =	vst v63  }
0x2e3: {  	s31 =	simm.s32 $0x10A00  }
0x2e4: {  	[tilespmem:s31], [sflag:$0x1] =	stream.indirect_vreg.gather [hbm4b:s23+s2], $0x80, v6, vm0, $0xb8;
	[tilespmem:$0x1A200] =	vst v63  }
0x2e5: {  	v6 =	vld [tilespmem:$0x21D0];
	_ =	sdelay $0x4  }
0x2e6: {  	v7 =	vshrl.u32 v6, $0x3  }
0x2e7: {  	v7 =	vmul.u32 $0x30, v7  }
0x2e8: {  	v6 =	vand.u32 $0x7, v6  }
0x2e9: {  	v6 =	vor.u32 v6, v7  }
0x2ea: {  	v7 =	vperm.xlane v6, v3;
	_ =	sdelay $0x1  }
0x2eb: {  	v7 =	vadd.s32 v4, v7;
	_ =	sdelay $0x3  }
0x2ec: {  	s11 =	simm.s32 $0x11200;
	v6 =	vperm.xlane v6, v5  }
0x2ed: {  	[tilespmem:s11], [sflag:$0x1] =	stream.indirect_vreg.gather [hbm4b:s4+s2], $0x80, v7, vm0, $0xb8;
	[tilespmem:$0x1A200] =	vst v63  }
0x2ee: {  	s12 =	simm.s32 $0x11A00;
	v6 =	vadd.s32 v4, v6  }
0x2ef: {  	[tilespmem:s12], [sflag:$0x1] =	stream.indirect_vreg.gather [hbm4b:s22+s2], $0x80, v7, vm0, $0xb8;
	[tilespmem:$0x1A200] =	vst v63  }
0x2f0: {  	s13 =	simm.s32 $0x12200  }
0x2f1: {  	[tilespmem:s13], [sflag:$0x1] =	stream.indirect_vreg.gather [hbm4b:s23+s2], $0x80, v7, vm0, $0xb8;
	[tilespmem:$0x1A200] =	vst v63  }
0x2f2: {  	s15 =	simm.s32 $0x12A00  }
0x2f3: {  	[tilespmem:s15], [sflag:$0x1] =	stream.indirect_vreg.gather [hbm4b:s4+s2], $0x80, v6, vm0, $0xb8;
	[tilespmem:$0x1A200] =	vst v63  }
0x2f4: {  	s16 =	simm.s32 $0x13200  }
0x2f5: {  	[tilespmem:s16], [sflag:$0x1] =	stream.indirect_vreg.gather [hbm4b:s22+s2], $0x80, v6, vm0, $0xb8;
	[tilespmem:$0x1A200] =	vst v63  }
0x2f6: {  	s16 =	simm.s32 $0x13A00  }
0x2f7: {  	[tilespmem:s16], [sflag:$0x1] =	stream.indirect_vreg.gather [hbm4b:s23+s2], $0x80, v6, vm0, $0xb8;
	[tilespmem:$0x1A200] =	vst v63  }
0x2f8: {  	v6 =	vld [tilespmem:$0x21E0];
	_ =	sdelay $0x4  }
0x2f9: {  	v7 =	vshrl.u32 v6, $0x3  }
0x2fa: {  	v7 =	vmul.u32 $0x30, v7  }
0x2fb: {  	v6 =	vand.u32 $0x7, v6  }
0x2fc: {  	v6 =	vor.u32 v6, v7  }
0x2fd: {  	v7 =	vperm.xlane v6, v3;
	_ =	sdelay $0x1  }
0x2fe: {  	v7 =	vadd.s32 v4, v7;
	_ =	sdelay $0x3  }
0x2ff: {  	s19 =	simm.s32 $0x14200;
	v6 =	vperm.xlane v6, v5  }
0x300: {  	[tilespmem:s19], [sflag:$0x1] =	stream.indirect_vreg.gather [hbm4b:s4+s2], $0x80, v7, vm0, $0xb8;
	[tilespmem:$0x1A200] =	vst v63  }
0x301: {  	s18 =	simm.s32 $0x14A00;
	v6 =	vadd.s32 v4, v6  }
0x302: {  	[tilespmem:s18], [sflag:$0x1] =	stream.indirect_vreg.gather [hbm4b:s22+s2], $0x80, v7, vm0, $0xb8;
	[tilespmem:$0x1A200] =	vst v63  }
0x303: {  	s17 =	simm.s32 $0x15200  }
0x304: {  	[tilespmem:s17], [sflag:$0x1] =	stream.indirect_vreg.gather [hbm4b:s23+s2], $0x80, v7, vm0, $0xb8;
	[tilespmem:$0x1A200] =	vst v63  }
0x305: {  	s21 =	simm.s32 $0x15A00  }
0x306: {  	[tilespmem:s21], [sflag:$0x1] =	stream.indirect_vreg.gather [hbm4b:s4+s2], $0x80, v6, vm0, $0xb8;
	[tilespmem:$0x1A200] =	vst v63  }
0x307: {  	s24 =	simm.s32 $0x16200  }
0x308: {  	[tilespmem:s24], [sflag:$0x1] =	stream.indirect_vreg.gather [hbm4b:s22+s2], $0x80, v6, vm0, $0xb8;
	[tilespmem:$0x1A200] =	vst v63  }
0x309: {  	s21 =	simm.s32 $0x16A00  }
0x30a: {  	[tilespmem:s21], [sflag:$0x1] =	stream.indirect_vreg.gather [hbm4b:s23+s2], $0x80, v6, vm0, $0xb8;
	[tilespmem:$0x1A200] =	vst v63  }
0x30b: {  	v6 =	vld [tilespmem:$0x21F0];
	_ =	sdelay $0x4  }
0x30c: {  	v7 =	vshrl.u32 v6, $0x3  }
0x30d: {  	v7 =	vmul.u32 $0x30, v7  }
0x30e: {  	v6 =	vand.u32 $0x7, v6  }
0x30f: {  	v6 =	vor.u32 v6, v7  }
0x310: {  	v7 =	vperm.xlane v6, v3;
	_ =	sdelay $0x1  }
0x311: {  	v7 =	vadd.s32 v4, v7;
	_ =	sdelay $0x3  }
0x312: {  	s24 =	simm.s32 $0x17200;
	v6 =	vperm.xlane v6, v5  }
0x313: {  	[tilespmem:s24], [sflag:$0x1] =	stream.indirect_vreg.gather [hbm4b:s4+s2], $0x80, v7, vm0, $0xb8;
	[tilespmem:$0x1A200] =	vst v63  }
0x314: {  	s26 =	simm.s32 $0x17A00;
	v6 =	vadd.s32 v4, v6  }
0x315: {  	[tilespmem:s26], [sflag:$0x1] =	stream.indirect_vreg.gather [hbm4b:s22+s2], $0x80, v7, vm0, $0xb8;
	[tilespmem:$0x1A200] =	vst v63  }
0x316: {  	s28 =	simm.s32 $0x18200  }
0x317: {  	[tilespmem:s28], [sflag:$0x1] =	stream.indirect_vreg.gather [hbm4b:s23+s2], $0x80, v7, vm0, $0xb8;
	[tilespmem:$0x1A200] =	vst v63  }
0x318: {  	s20 =	simm.s32 $0x18A00  }
0x319: {  	[tilespmem:s20], [sflag:$0x1] =	stream.indirect_vreg.gather [hbm4b:s4+s2], $0x80, v6, vm0, $0xb8;
	[tilespmem:$0x1A200] =	vst v63  }
0x31a: {  	s30 =	simm.s32 $0x19200  }
0x31b: {  	[tilespmem:s30], [sflag:$0x1] =	stream.indirect_vreg.gather [hbm4b:s22+s2], $0x80, v6, vm0, $0xb8;
	[tilespmem:$0x1A200] =	vst v63  }
0x31c: {  	s26 =	simm.s32 $0x19A00  }
0x31d: {  	[tilespmem:s26], [sflag:$0x1] =	stream.indirect_vreg.gather [hbm4b:s23+s2], $0x80, v6, vm0, $0xb8;
	[tilespmem:$0x1A200] =	vst v63  }
0x31e: {  	s28 =	rddreg [dreg:$0x11]  }
0x31f: {  	[hbm4b:s28+s2] =	stream.linear.scatter [tilespmem:s0], [sflag:$0x2], $0xC000, $0x38;
	[tilespmem:$0x1A200] =	vst v63  }
0x320: {  	_ =	swait.ge [sflag:s1], $0xC000  }
0x321: {  	[sflag:s1] =	ssyncset.done $0x0  }
0x322: {  	s30 =	rddreg [dreg:$0x12];
	[sflag:s1] =	ssyncadd.s32 $0xFFFF4000  }
0x323: {  	[hbm4b:s30+s2] =	stream.linear.scatter [tilespmem:s29], [sflag:$0x3], $0xC000, $0x38;
	[tilespmem:$0x1A200] =	vst v63  }
0x324: {  	_ =	swait.ge [sflag:s6], $0xC000  }
0x325: {  	[sflag:s6] =	ssyncset.done $0x0  }
0x326: {  	[sflag:s6] =	ssyncadd.s32 $0xFFFF4000  }
0x327: {  	_ =	swait.ge [sflag:s7], $0xC000  }
0x328: {  	s14 =	sadd.s32 $0x1, s14;
	s31 =	rddreg [dreg:$0x15]  }
0x329: {  	p1 =	sne.s32 s14, s31  }
.Ltmp1:
0x32a: {  	_ = 	snop;
	(pc) =	sbr.rel @p1 .LBB2_1-.Ltmp1, $3  }
0x32b: {  	_ =	sdelay $0x1  }
0x32c: {  	[sflag:s7] =	ssyncset.done $0x0  }
0x32d: {  	[sflag:s7] =	ssyncadd.s32 $0xFFFF4000  }
0x32e: {  	_ =	sfence.sel $0x180000  }
0x32f: {  	[bflag:$0x0] =	sbarrier.arrive $0xFFFF  }
0x330: {  	_ =	strace $0x90000047  }
0x331: {  	s0 =	stileid.u32;
	[bflag:$0x2] =	sbarrier.arrive $0xFFFF  }
0x332: {  	p0 =	sne.s32 s0, $0x0;
	s0 =	rddreg [dreg:$0x3]  }
0x333: {  	s0 =	sadd.s32 @!p0 $0x100000, s0  }
0x334: {  	[sflag:s0] =	ssyncadd.tile.s32 @!p0 $0x1;
	_ =	shalt  }
.Lfunc_end2:
_tile_overlayer_lowered:
.L_overlay_start_2:
0x335: {  	(tag) =	ssettag $0x2  }
0x336: {  	s0 =	rddreg [dreg:$0x0];
	s2 =	stileid.u32  }
0x337: {  	s1 =	rddreg [dreg:$0x1];
	p0 =	sne.s32 s2, $0x0  }
0x338: {  	s3 =	rddreg [dreg:$0x2];
	[bflag:$0x3] =	sbarrier.arrive $0xFFFF;
	s2 =	simm.s32 @!p0 $0x1C04  }
0x339: {  	[timem:s3], [sflag:s2] =	dma.local @!p0 [hbm:s0], s1  }
0x33a: {  	s0 =	simm.s32 @!p0 $0x4  }
0x33b: {  	_ =	swait.ge @!p0 [sflag:s0], s1  }
0x33c: {  	s1 =	ssub.s32 @!p0 $0x0, s1;
	[sflag:s0] =	ssyncset.done @!p0 $0x0  }
0x33d: {  	[sflag:s0] =	ssyncadd.s32 @!p0 s1  }
0x33e: {  	[bflag:$0x3] =	sbarrier.arrive $0xFFFF  }
0x33f: {  	_ =	shalt  }

</sc_bundles>
